<compile_context>
chip_gen: v7x
topology: tpu7x:2x2x1
jax: 0.10.2.dev20260603
libtpu: 0.0.44.dev20260713+nightly
codegen_flags: <defaults>
</compile_context>

<pallas_src>
import functools
import jax
import jax.numpy as jnp
from jax import lax
from jax.experimental import pallas as pl
from jax.experimental.pallas import tpu as pltpu
from jax.experimental.pallas import tpu_sc as plsc

_N = 64
_NQ = 9
_RB = 256
_NW = 32
_ROWS = 1024 * 512
_RPW = _ROWS // _NW
_NBLK = _RPW // _RB


def _sort_desc(v):
    return plsc.sort_key_val(v, v, descending=True)[0]


def _sort64(a, b, c, d):
    a = lax.sort(a)
    b = _sort_desc(b)
    c = lax.sort(c)
    d = _sort_desc(d)
    lo, hi = jnp.minimum(a, b), jnp.maximum(a, b)
    a2, b2 = lax.sort(lo), lax.sort(hi)
    lo, hi = jnp.minimum(c, d), jnp.maximum(c, d)
    c2, d2 = _sort_desc(hi), _sort_desc(lo)
    l0, l1 = jnp.minimum(a2, c2), jnp.minimum(b2, d2)
    h0, h1 = jnp.maximum(a2, c2), jnp.maximum(b2, d2)
    s0 = lax.sort(jnp.minimum(l0, l1))
    s1 = lax.sort(jnp.maximum(l0, l1))
    s2 = lax.sort(jnp.minimum(h0, h1))
    s3 = lax.sort(jnp.maximum(h0, h1))
    return s0, s1, s2, s3


def _make_kernel():
    mesh = plsc.VectorSubcoreMesh(core_axis_name="c", subcore_axis_name="s")

    @functools.partial(
        pl.kernel,
        mesh=mesh,
        out_type=jax.ShapeDtypeStruct((_ROWS, _NQ), jnp.float32),
        scratch_types=[
            pltpu.VMEM((_RB, _N), jnp.float32),
            pltpu.VMEM((_RB, _N), jnp.float32),
            pltpu.VMEM((_RB, _NQ), jnp.float32),
            pltpu.SemaphoreType.DMA,
            pltpu.SemaphoreType.DMA,
        ],
        compiler_params=pltpu.CompilerParams(
            needs_layout_passes=False, use_tc_tiling_on_sc=True),
    )
    def k(x_hbm, out_hbm, x_v0, x_v1, o_v, sem0, sem1):
        wid = lax.axis_index("s") * 2 + lax.axis_index("c")
        base_row = wid * _RPW
        lane = lax.iota(jnp.int32, 16)
        m0 = (lane == 6) | (lane == 13)
        m1 = (lane == 3) | (lane == 9)
        m2 = (lane == 0) | (lane == 6) | (lane == 12)
        m3 = (lane == 2) | (lane == 9)
        i0 = jnp.where(lane == 13, 1, 0)
        i1 = jnp.where(lane == 3, 2, 3)
        i2 = jnp.where(lane == 0, 4, jnp.where(lane == 6, 5, 6))
        i3 = jnp.where(lane == 2, 7, 8)

        def in_copy(blk, buf, sem):
            start = base_row + blk * _RB
            return pltpu.make_async_copy(
                x_hbm.at[pl.ds(start, _RB), :], buf, sem)

        def process(blk, buf):
            @plsc.parallel_loop(0, _RB, 1, unroll=4)
            def row_body(r):
                a = buf[r, pl.ds(0, 16)]
                b = buf[r, pl.ds(16, 16)]
                c = buf[r, pl.ds(32, 16)]
                d = buf[r, pl.ds(48, 16)]
                s0, s1, s2, s3 = _sort64(a, b, c, d)
                rv = i0 * 0 + r
                plsc.store_scatter(o_v, [rv, i0], s0, mask=m0)
                plsc.store_scatter(o_v, [rv, i1], s1, mask=m1)
                plsc.store_scatter(o_v, [rv, i2], s2, mask=m2)
                plsc.store_scatter(o_v, [rv, i3], s3, mask=m3)

            start = base_row + blk * _RB
            pltpu.sync_copy(o_v, out_hbm.at[pl.ds(start, _RB), :])

        in_copy(0, x_v0, sem0).start()
        in_copy(1, x_v1, sem1).start()

        def pair_body(p, carry):
            blk = 2 * p
            in_copy(blk, x_v0, sem0).wait()
            process(blk, x_v0)

            @pl.when(blk + 2 < _NBLK)
            def _():
                in_copy(blk + 2, x_v0, sem0).start()

            in_copy(blk + 1, x_v1, sem1).wait()
            process(blk + 1, x_v1)

            @pl.when(blk + 3 < _NBLK)
            def _():
                in_copy(blk + 3, x_v1, sem1).start()

            return carry

        lax.fori_loop(0, _NBLK // 2, pair_body, 0)

    return k


def kernel(x):
    b, t, n = x.shape
    out = _make_kernel()(x.reshape(b * t, n))
    return out.reshape(b, t, _NQ)

# --- scband reference (transcript-rebuilt; emitter-appended) ---
"""Pipeline reference for scband-quantile-tokenizer-1228360646755 (READ-ONLY COPY).

The authoritative reference and input builder live on the scoring server;
editing this copy changes nothing except your own understanding.
"""

import jax, jax.numpy as jnp
import numpy as np

QUANTILES = jnp.asarray([0.1, 0.2, 0.3, 0.4, 0.5, 0.6, 0.7, 0.8, 0.9], dtype=jnp.float32)
PERCENTILES = QUANTILES * 100.0


def setup_inputs(seed: int = 0) -> dict:
    key = jax.random.key(seed)
    x = jax.random.normal(key, (1024, 512, 64), dtype=jnp.float32)
    return {"x": x}


def reference(x):
    # tfp.stats.percentile(x, percentiles, axis=2) with default 'nearest' interpolation,
    # producing (Q, B, T); the layer then transposes to (B, T, Q).
    # Implemented as sort along the reduced axis + nearest-index gather, which is
    # mathematically identical and maps to sort/gather primitives.
    n = x.shape[2]
    sorted_x = jnp.sort(x, axis=2)  # ascending sort over feature axis
    frac_idx = PERCENTILES / 100.0 * (n - 1)
    idx = jnp.round(frac_idx).astype(jnp.int32)  # nearest interpolation
    y = jnp.take(sorted_x, idx, axis=2)  # (B, T, Q) == transpose(perm=[1,2,0]) of (Q,B,T)
    return y

if __name__ == "__main__":
    import jax
    _d = setup_inputs()
    print(jax.jit(kernel)(*tuple(_d.values())))

</pallas_src>

<mosaic_0001>
#map = affine_map<(d0, d1) -> (0, 0)>
module attributes {stable_mosaic.version = 14 : i64} {
  func.func @k(%arg0: i32, %arg1: i32, %arg2: memref<524288x64xf32, #tpu.memory_space<hbm>>, %arg3: memref<524288x9xf32, #tpu.memory_space<hbm>>, %arg4: memref<256x64xf32, #tpu.memory_space<vmem>>, %arg5: memref<256x64xf32, #tpu.memory_space<vmem>>, %arg6: memref<256x9xf32, #tpu.memory_space<vmem>>, %arg7: memref<!tpu.dma_semaphore, #tpu.memory_space<semaphore_mem>>, %arg8: memref<!tpu.dma_semaphore, #tpu.memory_space<semaphore_mem>>) attributes {dimension_semantics = [#tpu.dimension_semantics<core_parallel>, #tpu.dimension_semantics<subcore_parallel>], iteration_bounds = array<i64: 2, 16>, scalar_prefetch = 0 : i64, scratch_operands = 5 : i64, tpu.core_type = #tpu.core_type<sc_vector_subcore>, window_params = [{transform_indices = #map}, {transform_indices = #map}]} {
    %mul3A = arith.constant 2 : i32
    %mul3A_0 = arith.muli %arg1, %mul3A : i32
    %add3A = arith.addi %mul3A_0, %arg0 : i32
    %mul3A_1 = arith.constant 16384 : i32
    %mul3A_2 = arith.muli %add3A, %mul3A_1 : i32
    %iota3A = tpu.iota {dimensions = array<i32: 0>} : vector<16xi32>
    %eq3A = arith.constant 6 : i32
    %eq3A_3 = vector.broadcast %eq3A : i32 to vector<16xi32>
    %eq3A_4 = arith.cmpi eq, %iota3A, %eq3A_3 : vector<16xi32>
    %eq3A_5 = arith.constant 13 : i32
    %eq3A_6 = vector.broadcast %eq3A_5 : i32 to vector<16xi32>
    %eq3A_7 = arith.cmpi eq, %iota3A, %eq3A_6 : vector<16xi32>
    %or3A = arith.ori %eq3A_4, %eq3A_7 : vector<16xi1>
    %eq3A_8 = arith.constant 3 : i32
    %eq3A_9 = vector.broadcast %eq3A_8 : i32 to vector<16xi32>
    %eq3A_10 = arith.cmpi eq, %iota3A, %eq3A_9 : vector<16xi32>
    %eq3A_11 = arith.constant 9 : i32
    %eq3A_12 = vector.broadcast %eq3A_11 : i32 to vector<16xi32>
    %eq3A_13 = arith.cmpi eq, %iota3A, %eq3A_12 : vector<16xi32>
    %or3A_14 = arith.ori %eq3A_10, %eq3A_13 : vector<16xi1>
    %eq3A_15 = arith.constant 0 : i32
    %eq3A_16 = vector.broadcast %eq3A_15 : i32 to vector<16xi32>
    %eq3A_17 = arith.cmpi eq, %iota3A, %eq3A_16 : vector<16xi32>
    %eq3A_18 = arith.constant 6 : i32
    %eq3A_19 = vector.broadcast %eq3A_18 : i32 to vector<16xi32>
    %eq3A_20 = arith.cmpi eq, %iota3A, %eq3A_19 : vector<16xi32>
    %or3A_21 = arith.ori %eq3A_17, %eq3A_20 : vector<16xi1>
    %eq3A_22 = arith.constant 12 : i32
    %eq3A_23 = vector.broadcast %eq3A_22 : i32 to vector<16xi32>
    %eq3A_24 = arith.cmpi eq, %iota3A, %eq3A_23 : vector<16xi32>
    %or3A_25 = arith.ori %or3A_21, %eq3A_24 : vector<16xi1>
    %eq3A_26 = arith.constant 2 : i32
    %eq3A_27 = vector.broadcast %eq3A_26 : i32 to vector<16xi32>
    %eq3A_28 = arith.cmpi eq, %iota3A, %eq3A_27 : vector<16xi32>
    %eq3A_29 = arith.constant 9 : i32
    %eq3A_30 = vector.broadcast %eq3A_29 : i32 to vector<16xi32>
    %eq3A_31 = arith.cmpi eq, %iota3A, %eq3A_30 : vector<16xi32>
    %or3A_32 = arith.ori %eq3A_28, %eq3A_31 : vector<16xi1>
    %eq3A_33 = arith.constant 13 : i32
    %eq3A_34 = vector.broadcast %eq3A_33 : i32 to vector<16xi32>
    %eq3A_35 = arith.cmpi eq, %iota3A, %eq3A_34 : vector<16xi32>
    %jit3A = arith.constant 1 : i32
    %jit3A_36 = arith.constant 0 : i32
    %broadcast_in_dim3A = vector.broadcast %jit3A : i32 to vector<16xi32>
    %broadcast_in_dim3A_37 = vector.broadcast %jit3A_36 : i32 to vector<16xi32>
    %select_n3A = arith.select %eq3A_35, %broadcast_in_dim3A, %broadcast_in_dim3A_37 : vector<16xi1>, vector<16xi32>
    %eq3A_38 = arith.constant 3 : i32
    %eq3A_39 = vector.broadcast %eq3A_38 : i32 to vector<16xi32>
    %eq3A_40 = arith.cmpi eq, %iota3A, %eq3A_39 : vector<16xi32>
    %jit3A_41 = arith.constant 2 : i32
    %jit3A_42 = arith.constant 3 : i32
    %broadcast_in_dim3A_43 = vector.broadcast %jit3A_41 : i32 to vector<16xi32>
    %broadcast_in_dim3A_44 = vector.broadcast %jit3A_42 : i32 to vector<16xi32>
    %select_n3A_45 = arith.select %eq3A_40, %broadcast_in_dim3A_43, %broadcast_in_dim3A_44 : vector<16xi1>, vector<16xi32>
    %eq3A_46 = arith.constant 0 : i32
    %eq3A_47 = vector.broadcast %eq3A_46 : i32 to vector<16xi32>
    %eq3A_48 = arith.cmpi eq, %iota3A, %eq3A_47 : vector<16xi32>
    %eq3A_49 = arith.constant 6 : i32
    %eq3A_50 = vector.broadcast %eq3A_49 : i32 to vector<16xi32>
    %eq3A_51 = arith.cmpi eq, %iota3A, %eq3A_50 : vector<16xi32>
    %jit3A_52 = arith.constant 5 : i32
    %jit3A_53 = arith.constant 6 : i32
    %broadcast_in_dim3A_54 = vector.broadcast %jit3A_52 : i32 to vector<16xi32>
    %broadcast_in_dim3A_55 = vector.broadcast %jit3A_53 : i32 to vector<16xi32>
    %select_n3A_56 = arith.select %eq3A_51, %broadcast_in_dim3A_54, %broadcast_in_dim3A_55 : vector<16xi1>, vector<16xi32>
    %jit3A_57 = arith.constant 4 : i32
    %broadcast_in_dim3A_58 = vector.broadcast %jit3A_57 : i32 to vector<16xi32>
    %select_n3A_59 = arith.select %eq3A_48, %broadcast_in_dim3A_58, %select_n3A_56 : vector<16xi1>, vector<16xi32>
    %eq3A_60 = arith.constant 2 : i32
    %eq3A_61 = vector.broadcast %eq3A_60 : i32 to vector<16xi32>
    %eq3A_62 = arith.cmpi eq, %iota3A, %eq3A_61 : vector<16xi32>
    %jit3A_63 = arith.constant 7 : i32
    %jit3A_64 = arith.constant 8 : i32
    %broadcast_in_dim3A_65 = vector.broadcast %jit3A_63 : i32 to vector<16xi32>
    %broadcast_in_dim3A_66 = vector.broadcast %jit3A_64 : i32 to vector<16xi32>
    %select_n3A_67 = arith.select %eq3A_62, %broadcast_in_dim3A_65, %broadcast_in_dim3A_66 : vector<16xi1>, vector<16xi32>
    %add3A_68 = arith.constant 0 : i32
    %add3A_69 = arith.addi %mul3A_2, %add3A_68 : i32
    %dma_start3A = arith.constant 0 : i32
    %dma_start3A_70 = tpu.memref_slice %arg2[%add3A_69, %dma_start3A] : memref<524288x64xf32, #tpu.memory_space<hbm>> -> memref<256x64xf32, #tpu.memory_space<hbm>>
    %dma_start3A_71 = arith.constant 0 : i32
    %dma_start3A_72 = tpu.memref_slice %arg2[%add3A_69, %dma_start3A_71] : memref<524288x64xf32, #tpu.memory_space<hbm>> -> memref<256x64xf32, #tpu.memory_space<hbm>>
    tpu.enqueue_dma source(%dma_start3A_72 : memref<256x64xf32, #tpu.memory_space<hbm>>) target(%arg4 : memref<256x64xf32, #tpu.memory_space<vmem>>) target_semaphore(%arg7 : memref<!tpu.dma_semaphore, #tpu.memory_space<semaphore_mem>>)
    %add3A_73 = arith.constant 256 : i32
    %add3A_74 = arith.addi %mul3A_2, %add3A_73 : i32
    %dma_start3A_75 = arith.constant 0 : i32
    %dma_start3A_76 = tpu.memref_slice %arg2[%add3A_74, %dma_start3A_75] : memref<524288x64xf32, #tpu.memory_space<hbm>> -> memref<256x64xf32, #tpu.memory_space<hbm>>
    %dma_start3A_77 = arith.constant 0 : i32
    %dma_start3A_78 = tpu.memref_slice %arg2[%add3A_74, %dma_start3A_77] : memref<524288x64xf32, #tpu.memory_space<hbm>> -> memref<256x64xf32, #tpu.memory_space<hbm>>
    tpu.enqueue_dma source(%dma_start3A_78 : memref<256x64xf32, #tpu.memory_space<hbm>>) target(%arg5 : memref<256x64xf32, #tpu.memory_space<vmem>>) target_semaphore(%arg8 : memref<!tpu.dma_semaphore, #tpu.memory_space<semaphore_mem>>)
    %scan3A = arith.constant 0 : i32
    %scan3A_79 = arith.constant 0 : i32
    %scan3A_80 = arith.constant 32 : i32
    %scan3A_81 = arith.addi %scan3A_79, %scan3A_80 : i32
    %scan3A_82 = arith.constant 1 : i32
    scf.for %scan3A_84 = %scan3A_79 to %scan3A_81 step %scan3A_82  : i32 {
      %mul3A_85 = arith.constant 2 : i32
      %mul3A_86 = arith.muli %mul3A_85, %scan3A_84 : i32
      %mul3A_87 = arith.constant 256 : i32
      %mul3A_88 = arith.muli %mul3A_86, %mul3A_87 : i32
      %add3A_89 = arith.addi %mul3A_2, %mul3A_88 : i32
      %dma_wait3A = arith.constant 0 : i32
      %dma_wait3A_90 = tpu.memref_slice %arg2[%add3A_89, %dma_wait3A] : memref<524288x64xf32, #tpu.memory_space<hbm>> -> memref<256x64xf32, #tpu.memory_space<hbm>>
      %dma_wait3A_91 = arith.constant 0 : i32
      %dma_wait3A_92 = tpu.memref_slice %arg2[%add3A_89, %dma_wait3A_91] : memref<524288x64xf32, #tpu.memory_space<hbm>> -> memref<256x64xf32, #tpu.memory_space<hbm>>
      tpu.wait_dma2 semaphore(%arg7 : memref<!tpu.dma_semaphore, #tpu.memory_space<semaphore_mem>>) src(%dma_wait3A_92 : memref<256x64xf32, #tpu.memory_space<hbm>>) dst(%arg4 : memref<256x64xf32, #tpu.memory_space<vmem>>)
      %parallel_loop3A = arith.constant 0 : i32
      %parallel_loop3A_93 = arith.constant 256 : i32
      %parallel_loop3A_94 = arith.constant 1 : i32
      scf.for %parallel_loop3A_126 = %parallel_loop3A to %parallel_loop3A_93 step %parallel_loop3A_94  : i32 {
        %parallel_loop3A_127 = arith.index_cast %parallel_loop3A_126 : i32 to index
        %parallel_loop3A_128 = arith.constant 0 : index
        %parallel_loop3A_129 = tpu.vector_load %arg4[%parallel_loop3A_127, %parallel_loop3A_128] {strides = array<i32>} : memref<256x64xf32, #tpu.memory_space<vmem>>, vector<16xf32>,
        %parallel_loop3A_130 = arith.index_cast %parallel_loop3A_126 : i32 to index
        %parallel_loop3A_131 = arith.constant 16 : index
        %parallel_loop3A_132 = tpu.vector_load %arg4[%parallel_loop3A_130, %parallel_loop3A_131] {strides = array<i32>} : memref<256x64xf32, #tpu.memory_space<vmem>>, vector<16xf32>,
        %parallel_loop3A_133 = arith.index_cast %parallel_loop3A_126 : i32 to index
        %parallel_loop3A_134 = arith.constant 32 : index
        %parallel_loop3A_135 = tpu.vector_load %arg4[%parallel_loop3A_133, %parallel_loop3A_134] {strides = array<i32>} : memref<256x64xf32, #tpu.memory_space<vmem>>, vector<16xf32>,
        %parallel_loop3A_136 = arith.index_cast %parallel_loop3A_126 : i32 to index
        %parallel_loop3A_137 = arith.constant 48 : index
        %parallel_loop3A_138 = tpu.vector_load %arg4[%parallel_loop3A_136, %parallel_loop3A_137] {strides = array<i32>} : memref<256x64xf32, #tpu.memory_space<vmem>>, vector<16xf32>,
        %parallel_loop3A_139 = arith.constant dense<true> : vector<16xi1>
        %parallel_loop3A_140, %parallel_loop3A_141, %parallel_loop3A_142 = tpu.sort %parallel_loop3A_129, %parallel_loop3A_129 masked %parallel_loop3A_139 : (vector<16xf32>, vector<16xf32>, vector<16xi1>) -> (vector<16xi1>, vector<16xf32>, vector<16xf32>)
        %parallel_loop3A_143 = arith.constant dense<true> : vector<16xi1>
        %parallel_loop3A_144, %parallel_loop3A_145, %parallel_loop3A_146 = tpu.sort %parallel_loop3A_132, %parallel_loop3A_132 masked %parallel_loop3A_143 {descending = true} : (vector<16xf32>, vector<16xf32>, vector<16xi1>) -> (vector<16xi1>, vector<16xf32>, vector<16xf32>)
        %parallel_loop3A_147 = arith.constant dense<true> : vector<16xi1>
        %parallel_loop3A_148, %parallel_loop3A_149, %parallel_loop3A_150 = tpu.sort %parallel_loop3A_135, %parallel_loop3A_135 masked %parallel_loop3A_147 : (vector<16xf32>, vector<16xf32>, vector<16xi1>) -> (vector<16xi1>, vector<16xf32>, vector<16xf32>)
        %parallel_loop3A_151 = arith.constant dense<true> : vector<16xi1>
        %parallel_loop3A_152, %parallel_loop3A_153, %parallel_loop3A_154 = tpu.sort %parallel_loop3A_138, %parallel_loop3A_138 masked %parallel_loop3A_151 {descending = true} : (vector<16xf32>, vector<16xf32>, vector<16xi1>) -> (vector<16xi1>, vector<16xf32>, vector<16xf32>)
        %parallel_loop3A_155 = arith.minimumf %parallel_loop3A_141, %parallel_loop3A_145 : vector<16xf32>
        %parallel_loop3A_156 = arith.maximumf %parallel_loop3A_141, %parallel_loop3A_145 : vector<16xf32>
        %parallel_loop3A_157 = arith.constant dense<true> : vector<16xi1>
        %parallel_loop3A_158, %parallel_loop3A_159, %parallel_loop3A_160 = tpu.sort %parallel_loop3A_155, %parallel_loop3A_155 masked %parallel_loop3A_157 : (vector<16xf32>, vector<16xf32>, vector<16xi1>) -> (vector<16xi1>, vector<16xf32>, vector<16xf32>)
        %parallel_loop3A_161 = arith.constant dense<true> : vector<16xi1>
        %parallel_loop3A_162, %parallel_loop3A_163, %parallel_loop3A_164 = tpu.sort %parallel_loop3A_156, %parallel_loop3A_156 masked %parallel_loop3A_161 : (vector<16xf32>, vector<16xf32>, vector<16xi1>) -> (vector<16xi1>, vector<16xf32>, vector<16xf32>)
        %parallel_loop3A_165 = arith.minimumf %parallel_loop3A_149, %parallel_loop3A_153 : vector<16xf32>
        %parallel_loop3A_166 = arith.maximumf %parallel_loop3A_149, %parallel_loop3A_153 : vector<16xf32>
        %parallel_loop3A_167 = arith.constant dense<true> : vector<16xi1>
        %parallel_loop3A_168, %parallel_loop3A_169, %parallel_loop3A_170 = tpu.sort %parallel_loop3A_166, %parallel_loop3A_166 masked %parallel_loop3A_167 {descending = true} : (vector<16xf32>, vector<16xf32>, vector<16xi1>) -> (vector<16xi1>, vector<16xf32>, vector<16xf32>)
        %parallel_loop3A_171 = arith.constant dense<true> : vector<16xi1>
        %parallel_loop3A_172, %parallel_loop3A_173, %parallel_loop3A_174 = tpu.sort %parallel_loop3A_165, %parallel_loop3A_165 masked %parallel_loop3A_171 {descending = true} : (vector<16xf32>, vector<16xf32>, vector<16xi1>) -> (vector<16xi1>, vector<16xf32>, vector<16xf32>)
        %parallel_loop3A_175 = arith.minimumf %parallel_loop3A_159, %parallel_loop3A_169 : vector<16xf32>
        %parallel_loop3A_176 = arith.minimumf %parallel_loop3A_163, %parallel_loop3A_173 : vector<16xf32>
        %parallel_loop3A_177 = arith.maximumf %parallel_loop3A_159, %parallel_loop3A_169 : vector<16xf32>
        %parallel_loop3A_178 = arith.maximumf %parallel_loop3A_163, %parallel_loop3A_173 : vector<16xf32>
        %parallel_loop3A_179 = arith.minimumf %parallel_loop3A_175, %parallel_loop3A_176 : vector<16xf32>
        %parallel_loop3A_180 = arith.constant dense<true> : vector<16xi1>
        %parallel_loop3A_181, %parallel_loop3A_182, %parallel_loop3A_183 = tpu.sort %parallel_loop3A_179, %parallel_loop3A_179 masked %parallel_loop3A_180 : (vector<16xf32>, vector<16xf32>, vector<16xi1>) -> (vector<16xi1>, vector<16xf32>, vector<16xf32>)
        %parallel_loop3A_184 = arith.maximumf %parallel_loop3A_175, %parallel_loop3A_176 : vector<16xf32>
        %parallel_loop3A_185 = arith.constant dense<true> : vector<16xi1>
        %parallel_loop3A_186, %parallel_loop3A_187, %parallel_loop3A_188 = tpu.sort %parallel_loop3A_184, %parallel_loop3A_184 masked %parallel_loop3A_185 : (vector<16xf32>, vector<16xf32>, vector<16xi1>) -> (vector<16xi1>, vector<16xf32>, vector<16xf32>)
        %parallel_loop3A_189 = arith.minimumf %parallel_loop3A_177, %parallel_loop3A_178 : vector<16xf32>
        %parallel_loop3A_190 = arith.constant dense<true> : vector<16xi1>
        %parallel_loop3A_191, %parallel_loop3A_192, %parallel_loop3A_193 = tpu.sort %parallel_loop3A_189, %parallel_loop3A_189 masked %parallel_loop3A_190 : (vector<16xf32>, vector<16xf32>, vector<16xi1>) -> (vector<16xi1>, vector<16xf32>, vector<16xf32>)
        %parallel_loop3A_194 = arith.maximumf %parallel_loop3A_177, %parallel_loop3A_178 : vector<16xf32>
        %parallel_loop3A_195 = arith.constant dense<true> : vector<16xi1>
        %parallel_loop3A_196, %parallel_loop3A_197, %parallel_loop3A_198 = tpu.sort %parallel_loop3A_194, %parallel_loop3A_194 masked %parallel_loop3A_195 : (vector<16xf32>, vector<16xf32>, vector<16xi1>) -> (vector<16xi1>, vector<16xf32>, vector<16xf32>)
        %parallel_loop3A_199 = arith.constant 0 : i32
        %parallel_loop3A_200 = vector.broadcast %parallel_loop3A_199 : i32 to vector<16xi32>
        %parallel_loop3A_201 = arith.muli %select_n3A, %parallel_loop3A_200 : vector<16xi32>
        %parallel_loop3A_202 = vector.broadcast %parallel_loop3A_126 : i32 to vector<16xi32>
        %parallel_loop3A_203 = arith.addi %parallel_loop3A_201, %parallel_loop3A_202 : vector<16xi32>
        tpu.vector_store_idx %arg6[%parallel_loop3A_203, %select_n3A], %parallel_loop3A_182 masked %or3A : memref<256x9xf32, #tpu.memory_space<vmem>>[vector<16xi32>, vector<16xi32>], vector<16xf32>, vector<16xi1>
        tpu.vector_store_idx %arg6[%parallel_loop3A_203, %select_n3A_45], %parallel_loop3A_187 masked %or3A_14 : memref<256x9xf32, #tpu.memory_space<vmem>>[vector<16xi32>, vector<16xi32>], vector<16xf32>, vector<16xi1>
        tpu.vector_store_idx %arg6[%parallel_loop3A_203, %select_n3A_59], %parallel_loop3A_192 masked %or3A_25 : memref<256x9xf32, #tpu.memory_space<vmem>>[vector<16xi32>, vector<16xi32>], vector<16xf32>, vector<16xi1>
        tpu.vector_store_idx %arg6[%parallel_loop3A_203, %select_n3A_67], %parallel_loop3A_197 masked %or3A_32 : memref<256x9xf32, #tpu.memory_space<vmem>>[vector<16xi32>, vector<16xi32>], vector<16xf32>, vector<16xi1>
      } {sc.loop_unroll_factor = 4 : i64, sc.parallel_access}
      %mul3A_95 = arith.constant 256 : i32
      %mul3A_96 = arith.muli %mul3A_86, %mul3A_95 : i32
      %add3A_97 = arith.addi %mul3A_2, %mul3A_96 : i32
      "tpu.region"() ({
        %run_scoped3A = tpu.sem_alloc : memref<!tpu.dma_semaphore, #tpu.memory_space<semaphore_mem>>
        %dma_start3A_126 = arith.constant 0 : i32
        %dma_start3A_127 = tpu.memref_slice %arg3[%add3A_97, %dma_start3A_126] : memref<524288x9xf32, #tpu.memory_space<hbm>> -> memref<256x9xf32, #tpu.memory_space<hbm>>
        %dma_start3A_128 = arith.constant 0 : i32
        %dma_start3A_129 = tpu.memref_slice %arg3[%add3A_97, %dma_start3A_128] : memref<524288x9xf32, #tpu.memory_space<hbm>> -> memref<256x9xf32, #tpu.memory_space<hbm>>
        tpu.enqueue_dma source(%arg6 : memref<256x9xf32, #tpu.memory_space<vmem>>) target(%dma_start3A_129 : memref<256x9xf32, #tpu.memory_space<hbm>>) target_semaphore(%run_scoped3A : memref<!tpu.dma_semaphore, #tpu.memory_space<semaphore_mem>>)
        %dma_wait3A_130 = arith.constant 0 : i32
        %dma_wait3A_131 = tpu.memref_slice %arg3[%add3A_97, %dma_wait3A_130] : memref<524288x9xf32, #tpu.memory_space<hbm>> -> memref<256x9xf32, #tpu.memory_space<hbm>>
        %dma_wait3A_132 = arith.constant 0 : i32
        %dma_wait3A_133 = tpu.memref_slice %arg3[%add3A_97, %dma_wait3A_132] : memref<524288x9xf32, #tpu.memory_space<hbm>> -> memref<256x9xf32, #tpu.memory_space<hbm>>
        tpu.wait_dma2 semaphore(%run_scoped3A : memref<!tpu.dma_semaphore, #tpu.memory_space<semaphore_mem>>) src(%arg6 : memref<256x9xf32, #tpu.memory_space<vmem>>) dst(%dma_wait3A_133 : memref<256x9xf32, #tpu.memory_space<hbm>>)
        tpu.yield
      }) : () -> ()
      %add3A_98 = arith.constant 2 : i32
      %add3A_99 = arith.addi %mul3A_86, %add3A_98 : i32
      %lt3A = arith.constant 64 : i32
      %lt3A_100 = arith.cmpi slt, %add3A_99, %lt3A : i32
      %convert_element_type3A = arith.extui %lt3A_100 : i1 to i32
      %cond3A = arith.constant 0 : i32
      %cond3A_101 = arith.cmpi ne, %convert_element_type3A, %cond3A : i32
      scf.if %cond3A_101 {
        %add3A_126 = arith.constant 2 : i32
        %add3A_127 = arith.addi %mul3A_86, %add3A_126 : i32
        %mul3A_128 = arith.constant 256 : i32
        %mul3A_129 = arith.muli %add3A_127, %mul3A_128 : i32
        %add3A_130 = arith.addi %mul3A_2, %mul3A_129 : i32
        %dma_start3A_131 = arith.constant 0 : i32
        %dma_start3A_132 = tpu.memref_slice %arg2[%add3A_130, %dma_start3A_131] : memref<524288x64xf32, #tpu.memory_space<hbm>> -> memref<256x64xf32, #tpu.memory_space<hbm>>
        %dma_start3A_133 = arith.constant 0 : i32
        %dma_start3A_134 = tpu.memref_slice %arg2[%add3A_130, %dma_start3A_133] : memref<524288x64xf32, #tpu.memory_space<hbm>> -> memref<256x64xf32, #tpu.memory_space<hbm>>
        tpu.enqueue_dma source(%dma_start3A_134 : memref<256x64xf32, #tpu.memory_space<hbm>>) target(%arg4 : memref<256x64xf32, #tpu.memory_space<vmem>>) target_semaphore(%arg7 : memref<!tpu.dma_semaphore, #tpu.memory_space<semaphore_mem>>)
      } else {
      }
      %add3A_102 = arith.constant 1 : i32
      %add3A_103 = arith.addi %mul3A_86, %add3A_102 : i32
      %mul3A_104 = arith.constant 256 : i32
      %mul3A_105 = arith.muli %add3A_103, %mul3A_104 : i32
      %add3A_106 = arith.addi %mul3A_2, %mul3A_105 : i32
      %dma_wait3A_107 = arith.constant 0 : i32
      %dma_wait3A_108 = tpu.memref_slice %arg2[%add3A_106, %dma_wait3A_107] : memref<524288x64xf32, #tpu.memory_space<hbm>> -> memref<256x64xf32, #tpu.memory_space<hbm>>
      %dma_wait3A_109 = arith.constant 0 : i32
      %dma_wait3A_110 = tpu.memref_slice %arg2[%add3A_106, %dma_wait3A_109] : memref<524288x64xf32, #tpu.memory_space<hbm>> -> memref<256x64xf32, #tpu.memory_space<hbm>>
      tpu.wait_dma2 semaphore(%arg8 : memref<!tpu.dma_semaphore, #tpu.memory_space<semaphore_mem>>) src(%dma_wait3A_110 : memref<256x64xf32, #tpu.memory_space<hbm>>) dst(%arg5 : memref<256x64xf32, #tpu.memory_space<vmem>>)
      %add3A_111 = arith.constant 1 : i32
      %add3A_112 = arith.addi %mul3A_86, %add3A_111 : i32
      %parallel_loop3A_113 = arith.constant 0 : i32
      %parallel_loop3A_114 = arith.constant 256 : i32
      %parallel_loop3A_115 = arith.constant 1 : i32
      scf.for %parallel_loop3A_126 = %parallel_loop3A_113 to %parallel_loop3A_114 step %parallel_loop3A_115  : i32 {
        %parallel_loop3A_127 = arith.index_cast %parallel_loop3A_126 : i32 to index
        %parallel_loop3A_128 = arith.constant 0 : index
        %parallel_loop3A_129 = tpu.vector_load %arg5[%parallel_loop3A_127, %parallel_loop3A_128] {strides = array<i32>} : memref<256x64xf32, #tpu.memory_space<vmem>>, vector<16xf32>,
        %parallel_loop3A_130 = arith.index_cast %parallel_loop3A_126 : i32 to index
        %parallel_loop3A_131 = arith.constant 16 : index
        %parallel_loop3A_132 = tpu.vector_load %arg5[%parallel_loop3A_130, %parallel_loop3A_131] {strides = array<i32>} : memref<256x64xf32, #tpu.memory_space<vmem>>, vector<16xf32>,
        %parallel_loop3A_133 = arith.index_cast %parallel_loop3A_126 : i32 to index
        %parallel_loop3A_134 = arith.constant 32 : index
        %parallel_loop3A_135 = tpu.vector_load %arg5[%parallel_loop3A_133, %parallel_loop3A_134] {strides = array<i32>} : memref<256x64xf32, #tpu.memory_space<vmem>>, vector<16xf32>,
        %parallel_loop3A_136 = arith.index_cast %parallel_loop3A_126 : i32 to index
        %parallel_loop3A_137 = arith.constant 48 : index
        %parallel_loop3A_138 = tpu.vector_load %arg5[%parallel_loop3A_136, %parallel_loop3A_137] {strides = array<i32>} : memref<256x64xf32, #tpu.memory_space<vmem>>, vector<16xf32>,
        %parallel_loop3A_139 = arith.constant dense<true> : vector<16xi1>
        %parallel_loop3A_140, %parallel_loop3A_141, %parallel_loop3A_142 = tpu.sort %parallel_loop3A_129, %parallel_loop3A_129 masked %parallel_loop3A_139 : (vector<16xf32>, vector<16xf32>, vector<16xi1>) -> (vector<16xi1>, vector<16xf32>, vector<16xf32>)
        %parallel_loop3A_143 = arith.constant dense<true> : vector<16xi1>
        %parallel_loop3A_144, %parallel_loop3A_145, %parallel_loop3A_146 = tpu.sort %parallel_loop3A_132, %parallel_loop3A_132 masked %parallel_loop3A_143 {descending = true} : (vector<16xf32>, vector<16xf32>, vector<16xi1>) -> (vector<16xi1>, vector<16xf32>, vector<16xf32>)
        %parallel_loop3A_147 = arith.constant dense<true> : vector<16xi1>
        %parallel_loop3A_148, %parallel_loop3A_149, %parallel_loop3A_150 = tpu.sort %parallel_loop3A_135, %parallel_loop3A_135 masked %parallel_loop3A_147 : (vector<16xf32>, vector<16xf32>, vector<16xi1>) -> (vector<16xi1>, vector<16xf32>, vector<16xf32>)
        %parallel_loop3A_151 = arith.constant dense<true> : vector<16xi1>
        %parallel_loop3A_152, %parallel_loop3A_153, %parallel_loop3A_154 = tpu.sort %parallel_loop3A_138, %parallel_loop3A_138 masked %parallel_loop3A_151 {descending = true} : (vector<16xf32>, vector<16xf32>, vector<16xi1>) -> (vector<16xi1>, vector<16xf32>, vector<16xf32>)
        %parallel_loop3A_155 = arith.minimumf %parallel_loop3A_141, %parallel_loop3A_145 : vector<16xf32>
        %parallel_loop3A_156 = arith.maximumf %parallel_loop3A_141, %parallel_loop3A_145 : vector<16xf32>
        %parallel_loop3A_157 = arith.constant dense<true> : vector<16xi1>
        %parallel_loop3A_158, %parallel_loop3A_159, %parallel_loop3A_160 = tpu.sort %parallel_loop3A_155, %parallel_loop3A_155 masked %parallel_loop3A_157 : (vector<16xf32>, vector<16xf32>, vector<16xi1>) -> (vector<16xi1>, vector<16xf32>, vector<16xf32>)
        %parallel_loop3A_161 = arith.constant dense<true> : vector<16xi1>
        %parallel_loop3A_162, %parallel_loop3A_163, %parallel_loop3A_164 = tpu.sort %parallel_loop3A_156, %parallel_loop3A_156 masked %parallel_loop3A_161 : (vector<16xf32>, vector<16xf32>, vector<16xi1>) -> (vector<16xi1>, vector<16xf32>, vector<16xf32>)
        %parallel_loop3A_165 = arith.minimumf %parallel_loop3A_149, %parallel_loop3A_153 : vector<16xf32>
        %parallel_loop3A_166 = arith.maximumf %parallel_loop3A_149, %parallel_loop3A_153 : vector<16xf32>
        %parallel_loop3A_167 = arith.constant dense<true> : vector<16xi1>
        %parallel_loop3A_168, %parallel_loop3A_169, %parallel_loop3A_170 = tpu.sort %parallel_loop3A_166, %parallel_loop3A_166 masked %parallel_loop3A_167 {descending = true} : (vector<16xf32>, vector<16xf32>, vector<16xi1>) -> (vector<16xi1>, vector<16xf32>, vector<16xf32>)
        %parallel_loop3A_171 = arith.constant dense<true> : vector<16xi1>
        %parallel_loop3A_172, %parallel_loop3A_173, %parallel_loop3A_174 = tpu.sort %parallel_loop3A_165, %parallel_loop3A_165 masked %parallel_loop3A_171 {descending = true} : (vector<16xf32>, vector<16xf32>, vector<16xi1>) -> (vector<16xi1>, vector<16xf32>, vector<16xf32>)
        %parallel_loop3A_175 = arith.minimumf %parallel_loop3A_159, %parallel_loop3A_169 : vector<16xf32>
        %parallel_loop3A_176 = arith.minimumf %parallel_loop3A_163, %parallel_loop3A_173 : vector<16xf32>
        %parallel_loop3A_177 = arith.maximumf %parallel_loop3A_159, %parallel_loop3A_169 : vector<16xf32>
        %parallel_loop3A_178 = arith.maximumf %parallel_loop3A_163, %parallel_loop3A_173 : vector<16xf32>
        %parallel_loop3A_179 = arith.minimumf %parallel_loop3A_175, %parallel_loop3A_176 : vector<16xf32>
        %parallel_loop3A_180 = arith.constant dense<true> : vector<16xi1>
        %parallel_loop3A_181, %parallel_loop3A_182, %parallel_loop3A_183 = tpu.sort %parallel_loop3A_179, %parallel_loop3A_179 masked %parallel_loop3A_180 : (vector<16xf32>, vector<16xf32>, vector<16xi1>) -> (vector<16xi1>, vector<16xf32>, vector<16xf32>)
        %parallel_loop3A_184 = arith.maximumf %parallel_loop3A_175, %parallel_loop3A_176 : vector<16xf32>
        %parallel_loop3A_185 = arith.constant dense<true> : vector<16xi1>
        %parallel_loop3A_186, %parallel_loop3A_187, %parallel_loop3A_188 = tpu.sort %parallel_loop3A_184, %parallel_loop3A_184 masked %parallel_loop3A_185 : (vector<16xf32>, vector<16xf32>, vector<16xi1>) -> (vector<16xi1>, vector<16xf32>, vector<16xf32>)
        %parallel_loop3A_189 = arith.minimumf %parallel_loop3A_177, %parallel_loop3A_178 : vector<16xf32>
        %parallel_loop3A_190 = arith.constant dense<true> : vector<16xi1>
        %parallel_loop3A_191, %parallel_loop3A_192, %parallel_loop3A_193 = tpu.sort %parallel_loop3A_189, %parallel_loop3A_189 masked %parallel_loop3A_190 : (vector<16xf32>, vector<16xf32>, vector<16xi1>) -> (vector<16xi1>, vector<16xf32>, vector<16xf32>)
        %parallel_loop3A_194 = arith.maximumf %parallel_loop3A_177, %parallel_loop3A_178 : vector<16xf32>
        %parallel_loop3A_195 = arith.constant dense<true> : vector<16xi1>
        %parallel_loop3A_196, %parallel_loop3A_197, %parallel_loop3A_198 = tpu.sort %parallel_loop3A_194, %parallel_loop3A_194 masked %parallel_loop3A_195 : (vector<16xf32>, vector<16xf32>, vector<16xi1>) -> (vector<16xi1>, vector<16xf32>, vector<16xf32>)
        %parallel_loop3A_199 = arith.constant 0 : i32
        %parallel_loop3A_200 = vector.broadcast %parallel_loop3A_199 : i32 to vector<16xi32>
        %parallel_loop3A_201 = arith.muli %select_n3A, %parallel_loop3A_200 : vector<16xi32>
        %parallel_loop3A_202 = vector.broadcast %parallel_loop3A_126 : i32 to vector<16xi32>
        %parallel_loop3A_203 = arith.addi %parallel_loop3A_201, %parallel_loop3A_202 : vector<16xi32>
        tpu.vector_store_idx %arg6[%parallel_loop3A_203, %select_n3A], %parallel_loop3A_182 masked %or3A : memref<256x9xf32, #tpu.memory_space<vmem>>[vector<16xi32>, vector<16xi32>], vector<16xf32>, vector<16xi1>
        tpu.vector_store_idx %arg6[%parallel_loop3A_203, %select_n3A_45], %parallel_loop3A_187 masked %or3A_14 : memref<256x9xf32, #tpu.memory_space<vmem>>[vector<16xi32>, vector<16xi32>], vector<16xf32>, vector<16xi1>
        tpu.vector_store_idx %arg6[%parallel_loop3A_203, %select_n3A_59], %parallel_loop3A_192 masked %or3A_25 : memref<256x9xf32, #tpu.memory_space<vmem>>[vector<16xi32>, vector<16xi32>], vector<16xf32>, vector<16xi1>
        tpu.vector_store_idx %arg6[%parallel_loop3A_203, %select_n3A_67], %parallel_loop3A_197 masked %or3A_32 : memref<256x9xf32, #tpu.memory_space<vmem>>[vector<16xi32>, vector<16xi32>], vector<16xf32>, vector<16xi1>
      } {sc.loop_unroll_factor = 4 : i64, sc.parallel_access}
      %mul3A_116 = arith.constant 256 : i32
      %mul3A_117 = arith.muli %add3A_112, %mul3A_116 : i32
      %add3A_118 = arith.addi %mul3A_2, %mul3A_117 : i32
      "tpu.region"() ({
        %run_scoped3A = tpu.sem_alloc : memref<!tpu.dma_semaphore, #tpu.memory_space<semaphore_mem>>
        %dma_start3A_126 = arith.constant 0 : i32
        %dma_start3A_127 = tpu.memref_slice %arg3[%add3A_118, %dma_start3A_126] : memref<524288x9xf32, #tpu.memory_space<hbm>> -> memref<256x9xf32, #tpu.memory_space<hbm>>
        %dma_start3A_128 = arith.constant 0 : i32
        %dma_start3A_129 = tpu.memref_slice %arg3[%add3A_118, %dma_start3A_128] : memref<524288x9xf32, #tpu.memory_space<hbm>> -> memref<256x9xf32, #tpu.memory_space<hbm>>
        tpu.enqueue_dma source(%arg6 : memref<256x9xf32, #tpu.memory_space<vmem>>) target(%dma_start3A_129 : memref<256x9xf32, #tpu.memory_space<hbm>>) target_semaphore(%run_scoped3A : memref<!tpu.dma_semaphore, #tpu.memory_space<semaphore_mem>>)
        %dma_wait3A_130 = arith.constant 0 : i32
        %dma_wait3A_131 = tpu.memref_slice %arg3[%add3A_118, %dma_wait3A_130] : memref<524288x9xf32, #tpu.memory_space<hbm>> -> memref<256x9xf32, #tpu.memory_space<hbm>>
        %dma_wait3A_132 = arith.constant 0 : i32
        %dma_wait3A_133 = tpu.memref_slice %arg3[%add3A_118, %dma_wait3A_132] : memref<524288x9xf32, #tpu.memory_space<hbm>> -> memref<256x9xf32, #tpu.memory_space<hbm>>
        tpu.wait_dma2 semaphore(%run_scoped3A : memref<!tpu.dma_semaphore, #tpu.memory_space<semaphore_mem>>) src(%arg6 : memref<256x9xf32, #tpu.memory_space<vmem>>) dst(%dma_wait3A_133 : memref<256x9xf32, #tpu.memory_space<hbm>>)
        tpu.yield
      }) : () -> ()
      %add3A_119 = arith.constant 3 : i32
      %add3A_120 = arith.addi %mul3A_86, %add3A_119 : i32
      %lt3A_121 = arith.constant 64 : i32
      %lt3A_122 = arith.cmpi slt, %add3A_120, %lt3A_121 : i32
      %convert_element_type3A_123 = arith.extui %lt3A_122 : i1 to i32
      %cond3A_124 = arith.constant 0 : i32
      %cond3A_125 = arith.cmpi ne, %convert_element_type3A_123, %cond3A_124 : i32
      scf.if %cond3A_125 {
        %add3A_126 = arith.constant 3 : i32
        %add3A_127 = arith.addi %mul3A_86, %add3A_126 : i32
        %mul3A_128 = arith.constant 256 : i32
        %mul3A_129 = arith.muli %add3A_127, %mul3A_128 : i32
        %add3A_130 = arith.addi %mul3A_2, %mul3A_129 : i32
        %dma_start3A_131 = arith.constant 0 : i32
        %dma_start3A_132 = tpu.memref_slice %arg2[%add3A_130, %dma_start3A_131] : memref<524288x64xf32, #tpu.memory_space<hbm>> -> memref<256x64xf32, #tpu.memory_space<hbm>>
        %dma_start3A_133 = arith.constant 0 : i32
        %dma_start3A_134 = tpu.memref_slice %arg2[%add3A_130, %dma_start3A_133] : memref<524288x64xf32, #tpu.memory_space<hbm>> -> memref<256x64xf32, #tpu.memory_space<hbm>>
        tpu.enqueue_dma source(%dma_start3A_134 : memref<256x64xf32, #tpu.memory_space<hbm>>) target(%arg5 : memref<256x64xf32, #tpu.memory_space<vmem>>) target_semaphore(%arg8 : memref<!tpu.dma_semaphore, #tpu.memory_space<semaphore_mem>>)
      } else {
      }
    }
    %scan3A_83 = arith.constant 32 : i32
    return
  }
}

</mosaic_0001>

<sc_bundles>
// kernel: kernel.3.cloned.1.call-start
scs
__scs_entry_jumppad:
0x0: {  	(pc) =	sbr.rel $0x88, $3  }
0x1: {  	(tag) =	ssettag $0x0;
	lr =	simm.s32 $0x1  }
0x2: {  	[smem:$0x3FA0] =	sst lr;
	_ =	strace $0xD0000000  }
0x3: {  	_ = 	snop  }
0x4: {  	_ = 	snop  }
0x5: {  	_ = 	snop  }
0x6: {  	_ = 	snop  }
0x7: {  	_ = 	snop  }
__scs_overlays_trampoline_lowered:
0x8: {  	[smem:$0x3FAF] =	sst s0  }
0x9: {  	[smem:$0x3FB0] =	sst s1  }
0xa: {  	[smem:$0x3FB1] =	sst s2  }
0xb: {  	[smem:$0x3FB2] =	sst s3  }
0xc: {  	[smem:$0x3FB3] =	sst s4  }
0xd: {  	[smem:$0x3FB4] =	sst s5  }
0xe: {  	[smem:$0x3FB5] =	sst s6  }
0xf: {  	[smem:$0x3FB6] =	sst s7  }
0x10: {  	[smem:$0x3FB7] =	sst s8  }
0x11: {  	[smem:$0x3FB8] =	sst s9;
	s0 =	simm.s32 @!p0 $0x0  }
0x12: {  	s1 =	sld [smem:$0x3F9E];
	s0 =	simm.s32 @p0 $0x1  }
0x13: {  	[smem:$0x3FB9] =	sst s0;
	s0 =	simm.s32 @!p1 $0x0  }
0x14: {  	s2 =	sld [smem:$0x3F9D];
	s0 =	simm.s32 @p1 $0x1  }
0x15: {  	[smem:$0x3FBA] =	sst s0;
	s0 =	simm.s32 @!p2 $0x0  }
0x16: {  	s3 =	sld [smem:$0x3FDB];
	s0 =	simm.s32 @p2 $0x1  }
0x17: {  	s4 =	simm.s32 $0x1BF5;
	[smem:$0x3FBC] =	sst s0  }
0x18: {  	s0 =	sld [smem:$0x3F9F];
	_ =	swait.ge [sflag:s4], $0x0  }
0x19: {  	s7 =	sld [smem:$0x3FA0]  }
0x1a: {  	s8 =	sadd.s32 $0xFFFFE003, lr  }
0x1b: {  	s9 =	sadd.s32 $0xFFFFFEF7, lr;
	s5 =	simm.s32 $0xFFFFFFFF;
	p2 =	slt.u32 s8, $0xFFFFF086  }
0x1c: {  	p1 =	slt.u32 s9, $0xF7A;
	s5 =	simm.s32 @!p2 $0x0  }
0x1d: {  	s5 =	simm.s32 @p1 $0x1;
	p0 =	seq.s32 s7, s2  }
0x1e: {  	s7 =	smul.u32 @!p0 $0xF7A, s2;
	p2 =	seq.s32 @!p0 s5, $0x0  }
0x1f: {  	s9 =	smul.u32 $0xF7A, s1;
	s8 =	simm.s32 @!p0 $0x1BF5;
	p2 =	por !p2, p0  }
0x20: {  	[sflag:s8] =	ssyncset.s32 @!p0 $0xFFFFF086;
	s6 =	sadd.s32 @!p0 s3, s7;
	s7 =	simm.s32 @!p0 $0x108  }
0x21: {  	s3 =	sadd.s32 s3, s9;
	s6 =	sadd.s32 @!p0 $0x88, s6;
	s7 =	simm.s32 @p2 $0x1082  }
0x22: {  	[simem:s7], [sflag:s8] =	dma.local @!p0 [hbm:s6], $0xF7A  }
0x23: {  	s9 =	sor.u32 $0xD0000000, s2;
	s6 =	simm.s32 $0x108;
	_ =	swait.ge @!p0 [sflag:s8], $0x0  }
0x24: {  	s3 =	sadd.s32 $0x88, s3;
	s6 =	simm.s32 @!p1 $0x1082;
	[sflag:s4] =	ssyncset.s32 $0xFFFFF086  }
0x25: {  	[simem:s6], [sflag:s4] =	dma.local [hbm:s3], $0xF7A  }
0x26: {  	[smem:$0x3FA0] =	sst s1;
	(tag) =	ssettag s2;
	_ =	strace s9  }
0x27: {  	s1 =	sld [smem:$0x3FB0]  }
0x28: {  	s2 =	sld [smem:$0x3FB1]  }
0x29: {  	s4 =	sld [smem:$0x3FB3]  }
0x2a: {  	p0 =	seq.s32 s5, $0x0;
	s5 =	sld [smem:$0x3FB4]  }
0x2b: {  	s6 =	sld [smem:$0x3FB5]  }
0x2c: {  	s7 =	sld [smem:$0x3FB6]  }
0x2d: {  	s3 =	simm.s32 $0x108;
	s8 =	sld [smem:$0x3FB7]  }
0x2e: {  	s3 =	simm.s32 @!p0 $0x1082;
	s9 =	sld [smem:$0x3FB8]  }
0x2f: {  	lr =	sadd.s32 s0, s3;
	s0 =	sld [smem:$0x3FAF]  }
0x30: {  	s3 =	sld [smem:$0x3FB2]  }
0x31: {  	[smem:$0x3FBB] =	sst s10  }
0x32: {  	s10 =	sld [smem:$0x3FB9];
	_ =	sdelay $0x3  }
0x33: {  	p0 =	seq.s32 s10, $0x1;
	s10 =	sld [smem:$0x3FBB];
	_ =	sdelay $0x3  }
0x34: {  	[smem:$0x3FBB] =	sst s10  }
0x35: {  	s10 =	sld [smem:$0x3FBA];
	_ =	sdelay $0x3  }
0x36: {  	p1 =	seq.s32 s10, $0x1;
	s10 =	sld [smem:$0x3FBB];
	_ =	sdelay $0x3  }
0x37: {  	[smem:$0x3FBB] =	sst s10  }
0x38: {  	s10 =	sld [smem:$0x3FBC]  }
0x39: {  	_ = 	snop;
	(pc) =	sbr.ind lr, $3  }
0x3a: {  	_ = 	snop  }
0x3b: {  	_ = 	snop  }
0x3c: {  	p2 =	seq.s32 s10, $0x1;
	s10 =	sld [smem:$0x3FBB]  }
0x3d: {  	_ =	shalt  }
0x3e: {  	_ =	shalt  }
0x3f: {  	_ =	shalt  }
0x40: {  	_ =	shalt  }
0x41: {  	_ =	shalt  }
0x42: {  	_ =	shalt  }
0x43: {  	_ =	shalt  }
0x44: {  	_ =	shalt  }
0x45: {  	_ =	shalt  }
0x46: {  	_ =	shalt  }
0x47: {  	_ =	shalt  }
0x48: {  	_ =	shalt  }
0x49: {  	_ =	shalt  }
0x4a: {  	_ =	shalt  }
0x4b: {  	_ =	shalt  }
0x4c: {  	_ =	shalt  }
0x4d: {  	_ =	shalt  }
0x4e: {  	_ =	shalt  }
0x4f: {  	_ =	shalt  }
0x50: {  	_ =	shalt  }
0x51: {  	_ =	shalt  }
0x52: {  	_ =	shalt  }
0x53: {  	_ =	shalt  }
0x54: {  	_ =	shalt  }
0x55: {  	_ =	shalt  }
0x56: {  	_ =	shalt  }
0x57: {  	_ =	shalt  }
0x58: {  	_ =	shalt  }
0x59: {  	_ =	shalt  }
0x5a: {  	_ =	shalt  }
0x5b: {  	_ =	shalt  }
0x5c: {  	_ =	shalt  }
0x5d: {  	_ =	shalt  }
0x5e: {  	_ =	shalt  }
0x5f: {  	_ =	shalt  }
0x60: {  	_ =	shalt  }
0x61: {  	_ =	shalt  }
0x62: {  	_ =	shalt  }
0x63: {  	_ =	shalt  }
0x64: {  	_ =	shalt  }
0x65: {  	_ =	shalt  }
0x66: {  	_ =	shalt  }
0x67: {  	_ =	shalt  }
0x68: {  	_ =	shalt  }
0x69: {  	_ =	shalt  }
0x6a: {  	_ =	shalt  }
0x6b: {  	_ =	shalt  }
0x6c: {  	_ =	shalt  }
0x6d: {  	_ =	shalt  }
0x6e: {  	_ =	shalt  }
0x6f: {  	_ =	shalt  }
0x70: {  	_ =	shalt  }
0x71: {  	_ =	shalt  }
0x72: {  	_ =	shalt  }
0x73: {  	_ =	shalt  }
0x74: {  	_ =	shalt  }
0x75: {  	_ =	shalt  }
0x76: {  	_ =	shalt  }
0x77: {  	_ =	shalt  }
0x78: {  	_ =	shalt  }
0x79: {  	_ =	shalt  }
0x7a: {  	_ =	shalt  }
0x7b: {  	_ =	shalt  }
0x7c: {  	_ =	shalt  }
0x7d: {  	_ =	shalt  }
0x7e: {  	_ =	shalt  }
0x7f: {  	_ =	shalt  }
0x80: {  	_ =	shalt  }
0x81: {  	_ =	shalt  }
0x82: {  	_ =	shalt  }
0x83: {  	_ =	shalt  }
0x84: {  	_ =	shalt  }
0x85: {  	_ =	shalt  }
0x86: {  	_ =	shalt  }
0x87: {  	_ =	shalt  }
.Lfunc_end0:
.L_simem_size_0:
called_computation_lowered:
.L_overlay_start_0:
0x88: {  	s2 =	sld [smem:$0x3FD9]  }
0x89: {  	s3 =	sld [smem:$0x3FFE];
	_ =	sdelay $0x1  }
0x8a: {  	s1 =	srdreg.scid  }
0x8b: {  	s0 =	sand.u32 $0x1, s1  }
0x8c: {  	s16 =	sshll.u32 s0, $0xA;
	s2 =	sadd.s32 s3, s2  }
0x8d: {  	s2 =	sadd.s32 s2, s16  }
0x8e: {  	[smem:$0x3FC7] =	sst s2  }
0x8f: {  	_ = 	snop  }
0x90: {  	(tm) =	ssettm $0x1  }
0x91: {  	s17 =	sld [smem:$0x3FFB];
	_ =	sdelay $0x3  }
0x92: {  	_ =	strace s17  }
0x93: {  	s2 =	sld [smem:$0x3FFC];
	_ =	sdelay $0x3  }
0x94: {  	_ =	strace s2  }
0x95: {  	s2 =	sld [smem:$0x3FFD];
	_ =	sdelay $0x3  }
0x96: {  	_ =	strace s2  }
0x97: {  	_ =	strace $0x8FFFFFFF  }
0x98: {  	s18 =	sld [smem:$0x3FDB];
	_ =	sdelay $0x1  }
0x99: {  	s19 =	simm.s32 $_scs_section_size  }
0x9a: {  	s4 =	simm.s32 $_size__tile_overlayer_lowered;
	s5 =	simm.s32 $_tile_overlayer_lowered  }
0x9b: {  	s22 =	simm.s32 $0x1BFF;
	s21 =	sshll.u32 s5, $0x1;
	s2 =	sadd.s32 s19, s18  }
0x9c: {  	s6 =	simm.s32 $0x0;
	s20 =	sshll.u32 s4, $0x1;
	s4 =	sadd.s32 s21, s2  }
0x9d: {  	[timem:s6], [sflag:s22] =	dma.local [hbm:s4], s20  }
0x9e: {  	_ =	swait.ge [sflag:s22], s20  }
0x9f: {  	s3 =	ssub.s32 $0x0, s20;
	[sflag:s22] =	ssyncset.done $0x0  }
0xa0: {  	[sflag:s22] =	ssyncadd.s32 s3;
	_ =	sdelay $0x1  }
0xa1: {  	s23 =	simm.s32 $0x1B8B  }
0xa2: {  	_ =	swait.ge [sflag:s23], $0x1  }
0xa3: {  	[sflag:s23] =	ssyncset.done $0x0  }
0xa4: {  	s25 =	simm.s32 $0x1B8E;
	s24 =	sld [smem:$0x3FFE];
	[sflag:s23] =	ssyncadd.s32 $0xFFFFFFFF  }
0xa5: {  	s26 =	simm.s32 $execute0_lowered;
	[smem:$0x3FD2] =	sst s25  }
0xa6: {  	s4 =	sshll.u32 s26, $0x1;
	_ =	strace $0x80000046;
	[dreg:$0x1] =	wrdreg $0xFFFFFFFF  }
0xa7: {  	s28 =	simm.s32 $_size_execute0_lowered;
	s2 =	sadd.s32 s2, s4;
	[dreg:$0x0] =	wrdreg $0x0  }
0xa8: {  	s4 =	sshll.u32 s28, $0x1;
	[dreg:$0x2] =	wrdreg s2  }
0xa9: {  	[dreg:$0x3] =	wrdreg s4  }
0xaa: {  	[dreg:$0x4] =	wrdreg $0xC0  }
0xab: {  	_ =	task [dreg:s6], $0x5FFFF  }
0xac: {  	[dreg:$0x1] =	wrdreg $0xFFFFFFFF  }
0xad: {  	[dreg:$0x0] =	wrdreg $0x60  }
0xae: {  	[dreg:$0x2] =	wrdreg s24  }
0xaf: {  	[dreg:$0x3] =	wrdreg $0x9  }
0xb0: {  	_ =	task.clear_ibuf [dreg:s6], $0x4FFFF;
	_ =	strace $0x90000046  }
0xb1: {  	s29 =	simm.s32 $0x9;
	_ =	strace $0x80000048  }
0xb2: {  	_ =	swait.ge [sflag:s29], $0x1  }
0xb3: {  	[sflag:s29] =	ssyncadd.s32 $0xFFFFFFFF  }
0xb4: {  	_ =	strace $0x90000048  }
0xb5: {  	_ =	sfence  }
0xb6: {  	s30 =	sld [smem:$0x0];
	_ =	sdelay $0x2  }
0xb7: {  	s31 =	sshll.u32 s1, $0xD;
	s1 =	sshrl.u32 s1, $0x2  }
0xb8: {  	s3 =	sand.u32 $0x4000, s31;
	s1 =	sadd.s32 s1, s30  }
0xb9: {  	s0 =	sor.u32 s3, s0;
	s1 =	sshll.u32 s1, $0x11  }
0xba: {  	s0 =	sor.u32 s1, s0  }
0xbb: {  	s0 =	sadd.s32 $0x8F2B, s0  }
0xbc: {  	[sflag:s0] =	ssyncadd.remote.s32 $0x1  }
0xbd: {  	_ =	sfence.sel $0xFFFF  }
0xbe: {  	[dreg:$0x0] =	wrdreg $0xFFFFFFFF;
	(pc) =	sbr.abs _section_cstart, $3  }
0xbf: {  	[dreg:$0x1] =	wrdreg $0xFFFFFFFF  }
0xc0: {  	_ =	task.clear_ibuf [dreg:s6], $0x2FFFF;
	_ =	strace $0x9FFFFFFF  }
0xc1: {  	(tm) =	ssettm $0x7FFFFFFF  }
tec
execute0_lowered:
.L_overlay_start_1:
0x0: {  	(tag) =	ssettag $0x1  }
0x1: {  	s0 =	srdreg.scid;
	s3 =	rddreg [dreg:$0x0];
	v0 =	vimm.s32 $0x0  }
0x2: {  	s1 =	stileid.u32;
	s2 =	simm.s32 $0x0;
	vm0 =	vcmask $0x3734;
	vm1 =	vcmask $0x1B18;
	v1 =	vimm.s32 $0x3;
	s10 =	simm.s32 $0x8000  }
0x3: {  	vm2 =	vcmask $0xF0C;
	v2 =	vimm.s32 $0x6;
	vm3 =	vcmask $0x300;
	s11 =	simm.s32 $0x1;
	s12 =	simm.s32 $0x10000;
	s13 =	simm.s32 $0x3  }
0x4: {  	vm4 =	vcmask $0x2724;
	s14 =	simm.s32 $0x2;
	s15 =	simm.s32 $0x0;
	s4 =	sand.u32 $0x1, s0;
	v0 =	vsel vm0, $0x1, v0;
	vm0 =	vmor vm1, vm0  }
0x5: {  	s0 =	rddreg [dreg:$0x1];
	s5 =	sshll.u32 s1, $0x13;
	v1 =	vsel vm2, $0x2, v1;
	v2 =	vsel vm3, $0x4, v2;
	vm2 =	vmor vm2, vm4;
	s6 =	sshll.u32 s4, $0x12  }
.Ltmp0:
0x6: {  	s4 =	ssub.s32 $0x2, s4;
	v2 =	vsel vm1, $0x5, v2;
	vm1 =	vmor vm3, vm1;
	vm3 =	vcmask $0x3330;
	s5 =	sor.u32 s6, s5;
	(pc) =	sbr.rel .LBB2_1-.Ltmp0, $4  }
0x7: {  	v3 =	vimm.s32 $0x8;
	[smem:$0x7FF] =	sst s2;
	s31 =	sshrl.u32 s4, $0x1;
	vm1 =	vmor vm1, vm3;
	vm3 =	vcmask $0xB08;
	s9 =	sadd.s32 s5, s3  }
0x8: {  	_ =	strace $0x80000047;
	s8 =	ssub.s32 s4, s31;
	v3 =	vsel vm3, $0x7, v3;
	vm3 =	vmor vm3, vm4;
	s3 =	sadd.s32 $0x400, s9  }
0x9: {  	s4 =	sadd.s32 $0x1400, s9;
	s5 =	sadd.s32 $0x800400, s9;
	s6 =	sadd.s32 $0x2400, s9  }
0xa: {  	s7 =	sadd.s32 $0x3400, s9;
	s8 =	smax.u32 s8, $0x1;
	s9 =	sadd.s32 $0x801400, s9  }
.LBB2_8:
0xb: {  	s15 =	sadd.s32 $0x1, s15  }
0xc: {  	p0 =	sne.s32 s15, s8  }
.Ltmp1:
0xd: {  	_ = 	snop;
	(pc) =	sbr.rel @!p0 .LBB2_9-.Ltmp1, $1  }
0xe: {  	_ =	sdelay $0x3  }
.LBB2_1:
0xf: {  	[tilespmem:s2], [sflag:$0x1] =	stream.linear.gather [hbm4b:s3+s2], $0x8000, $0x38;
	[tilespmem:$0x18000] =	vst v63  }
0x10: {  	s16 =	simm.s32 $0x0  }
0x11: {  	[tilespmem:s10], [sflag:$0x2] =	stream.linear.gather [hbm4b:s4+s2], $0x8000, $0x38;
	[tilespmem:$0x18000] =	vst v63  }
.LBB2_2:
0x12: {  	_ =	swait.ge [sflag:s11], $0x8000  }
0x13: {  	[sflag:s11] =	ssyncset.done $0x0  }
0x14: {  	s17 =	simm.s32 $0x100;
	[sflag:s11] =	ssyncadd.s32 $0xFFFF8000  }
0x15: {  	v4 =	vld [tilespmem:s17+$0x80]  }
0x16: {  	v5 =	vld [tilespmem:s17+$0x90]  }
0x17: {  	v6 =	vld [tilespmem:s17+$0xA0]  }
0x18: {  	v7 =	vld [tilespmem:s17+$0xB0];
	_ =	sdelay $0x1  }
0x19: {  	v8 =	vld [tilespmem:s17+$0xFFFFFF10];
	(xrf1) =	vsort.ascd.msk.f32 $0xffff, v4, v4  }
0x1a: {  	v9 =	vld [tilespmem:s17+$0xFFFFFF20];
	(xrf1) =	vsort.dscd.msk.f32 $0xffff, v5, v5  }
0x1b: {  	v4 =	vld [tilespmem:s17+$0xFFFFFF30];
	(xrf1) =	vsort.ascd.msk.f32 $0xffff, v6, v6  }
0x1c: {  	(xrf1) =	vsort.dscd.msk.f32 $0xffff, v7, v7  }
0x1d: {  	v5 =	vld [tilespmem:s17+$0xFFFFFF80]  }
0x1e: {  	v6 =	vld [tilespmem:s17+$0xFFFFFF90];
	(xrf1) =	vsort.dscd.msk.f32 $0xffff, v8, v8  }
0x1f: {  	v7 =	vld [tilespmem:s17+$0xFFFFFFA0];
	(xrf1) =	vsort.ascd.msk.f32 $0xffff, v9, v9  }
0x20: {  	v8 =	vld [tilespmem:s17+$0xFFFFFFB0];
	(xrf1) =	vsort.dscd.msk.f32 $0xffff, v4, v4  }
0x21: {  	v4 =	vld [tilespmem:s17+$0x0]  }
0x22: {  	(xrf1) =	vsort.ascd.msk.f32 $0xffff, v5, v5;
	v5 =	vld [tilespmem:s17+$0x10]  }
0x23: {  	(xrf1) =	vsort.dscd.msk.f32 $0xffff, v6, v6;
	v6 =	vld [tilespmem:s17+$0x20]  }
0x24: {  	(xrf1) =	vsort.ascd.msk.f32 $0xffff, v7, v7;
	v7 =	vld [tilespmem:s17+$0x30]  }
0x25: {  	(xrf1) =	vsort.dscd.msk.f32 $0xffff, v8, v8;
	v8 =	vld [tilespmem:s17+$0xFFFFFF00]  }
0x26: {  	(xrf1) =	vsort.ascd.msk.f32 $0xffff, v4, v4  }
0x27: {  	(xrf1) =	vsort.dscd.msk.f32 $0xffff, v5, v5;
	v4, _, _ =	vpop (xrf1)  }
0x28: {  	(xrf1) =	vsort.ascd.msk.f32 $0xffff, v6, v6;
	v5, _, _ =	vpop (xrf1)  }
0x29: {  	(xrf1) =	vsort.dscd.msk.f32 $0xffff, v7, v7;
	v6, _, _ =	vpop (xrf1)  }
0x2a: {  	(xrf1) =	vsort.ascd.msk.f32 $0xffff, v8, v8;
	v7 =	vmin.f32 v4, v5;
	v4 =	vmax.f32 v4, v5;
	v8, _, _ =	vpop (xrf1)  }
0x2b: {  	(xrf1) =	vsort.ascd.msk.f32 $0xffff, v7, v7;
	v7 =	vmax.f32 v6, v8  }
0x2c: {  	v5, _, _ =	vpop (xrf1)  }
0x2d: {  	(xrf1) =	vsort.ascd.msk.f32 $0xffff, v4, v4;
	v4, _, _ =	vpop (xrf1)  }
0x2e: {  	v6 =	vmin.f32 v6, v8;
	(xrf1) =	vsort.dscd.msk.f32 $0xffff, v7, v7;
	v7, _, _ =	vpop (xrf1)  }
0x2f: {  	(xrf1) =	vsort.dscd.msk.f32 $0xffff, v6, v6;
	v6 =	vmax.f32 v4, v7  }
0x30: {  	v4 =	vmin.f32 v4, v7  }
0x31: {  	v8, _, _ =	vpop (xrf1)  }
0x32: {  	(xrf1) =	vsort.dscd.msk.f32 $0xffff, v6, v6;
	v6, _, _ =	vpop (xrf1)  }
0x33: {  	(xrf1) =	vsort.dscd.msk.f32 $0xffff, v4, v4;
	v7 =	vmin.f32 v8, v6;
	v4, _, _ =	vpop (xrf1)  }
0x34: {  	v6 =	vmax.f32 v8, v6;
	v8, _, _ =	vpop (xrf1);
	(xrf1) =	vsort.ascd.msk.f32 $0xffff, v7, v7  }
0x35: {  	v7 =	vmax.f32 v4, v8;
	(xrf1) =	vsort.ascd.msk.f32 $0xffff, v6, v6;
	v4 =	vmin.f32 v4, v8  }
0x36: {  	(xrf1) =	vsort.dscd.msk.f32 $0xffff, v7, v7  }
0x37: {  	v6, _, _ =	vpop (xrf1);
	(xrf1) =	vsort.dscd.msk.f32 $0xffff, v4, v4  }
0x38: {  	v4, _, _ =	vpop (xrf1)  }
0x39: {  	v7, _, _ =	vpop (xrf1)  }
0x3a: {  	v8, _, _ =	vpop (xrf1)  }
0x3b: {  	v11 =	vmin.f32 v6, v4;
	v9, _, _ =	vpop (xrf1)  }
0x3c: {  	v4 =	vmax.f32 v6, v4;
	(xrf1) =	vsort.ascd.msk.f32 $0xffff, v11, v11;
	v10, _, _ =	vpop (xrf1)  }
0x3d: {  	v11 =	vmax.f32 v7, v8;
	(xrf1) =	vsort.ascd.msk.f32 $0xffff, v4, v4;
	v12, _, _ =	vpop (xrf1)  }
0x3e: {  	v13 =	vmin.f32 v9, v5;
	(xrf1) =	vsort.dscd.msk.f32 $0xffff, v11, v11;
	v6, _, _ =	vpop (xrf1)  }
0x3f: {  	v7 =	vmin.f32 v7, v8;
	v5 =	vmax.f32 v9, v5;
	(xrf1) =	vsort.ascd.msk.f32 $0xffff, v13, v13;
	v4, _, _ =	vpop (xrf1)  }
0x40: {  	(xrf1) =	vsort.ascd.msk.f32 $0xffff, v5, v5;
	v5 =	vmin.f32 v10, v6;
	v11, _, _ =	vpop (xrf1);
	v9 =	vmin.f32 v12, v4  }
0x41: {  	(xrf1) =	vsort.dscd.msk.f32 $0xffff, v7, v7;
	v8, _, _ =	vpop (xrf1);
	v7 =	vmin.f32 v5, v9  }
0x42: {  	v5 =	vmax.f32 v5, v9;
	v13, _, _ =	vpop (xrf1)  }
0x43: {  	v6 =	vmax.f32 v10, v6;
	v10, _, _ =	vpop (xrf1)  }
0x44: {  	v4 =	vmax.f32 v12, v4;
	(xrf1) =	vsort.ascd.msk.f32 $0xffff, v7, v7;
	v7, _, _ =	vpop (xrf1)  }
0x45: {  	v9 =	vmin.f32 v6, v4;
	v4 =	vmax.f32 v6, v4;
	(xrf1) =	vsort.ascd.msk.f32 $0xffff, v5, v5;
	v5, _, _ =	vpop (xrf1)  }
0x46: {  	s28 =	simm.s32 $0x300;
	(xrf1) =	vsort.ascd.msk.f32 $0xffff, v9, v9;
	v6 =	vmin.f32 v13, v7;
	v9 =	vmin.f32 v10, v5  }
0x47: {  	v12 =	vld [tilespmem:s28+$0x80];
	(xrf1) =	vsort.ascd.msk.f32 $0xffff, v4, v4;
	v4 =	vmax.f32 v13, v7;
	v7 =	vmin.f32 v6, v9  }
0x48: {  	v5 =	vmax.f32 v10, v5;
	v6 =	vmax.f32 v6, v9;
	(xrf1) =	vsort.ascd.msk.f32 $0xffff, v7, v7;
	v7 =	vld [tilespmem:s28+$0x90]  }
0x49: {  	v9 =	vmin.f32 v4, v5;
	(xrf1) =	vsort.ascd.msk.f32 $0xffff, v6, v6;
	v6 =	vld [tilespmem:s28+$0xA0]  }
0x4a: {  	v4 =	vmax.f32 v4, v5;
	v5 =	vld [tilespmem:s28+$0xB0];
	(xrf1) =	vsort.ascd.msk.f32 $0xffff, v9, v9  }
0x4b: {  	(xrf1) =	vsort.ascd.msk.f32 $0xffff, v4, v4;
	v4 =	vld [tilespmem:s28+$0xFFFFFF10]  }
0x4c: {  	v10 =	vld [tilespmem:s28+$0xFFFFFF20];
	v9, _, _ =	vpop (xrf1);
	(xrf1) =	vsort.ascd.msk.f32 $0xffff, v12, v12  }
0x4d: {  	v13 =	vld [tilespmem:s28+$0xFFFFFF30];
	v12, _, _ =	vpop (xrf1);
	(xrf1) =	vsort.dscd.msk.f32 $0xffff, v7, v7  }
0x4e: {  	v14 =	vld [tilespmem:s28+$0xFFFFFF80];
	v7, _, _ =	vpop (xrf1);
	(xrf1) =	vsort.ascd.msk.f32 $0xffff, v6, v6  }
0x4f: {  	v15 =	vld [tilespmem:s28+$0xFFFFFF90];
	v6, _, _ =	vpop (xrf1);
	(xrf1) =	vsort.dscd.msk.f32 $0xffff, v5, v5  }
0x50: {  	v16 =	vld [tilespmem:s28+$0xFFFFFFA0];
	v5, _, _ =	vpop (xrf1);
	(xrf1) =	vsort.dscd.msk.f32 $0xffff, v4, v4  }
0x51: {  	v17 =	vld [tilespmem:s28+$0xFFFFFFB0];
	v4, _, _ =	vpop (xrf1);
	(xrf1) =	vsort.ascd.msk.f32 $0xffff, v10, v10  }
0x52: {  	v18 =	vld [tilespmem:s28+$0x0];
	v10, _, _ =	vpop (xrf1);
	(xrf1) =	vsort.dscd.msk.f32 $0xffff, v13, v13  }
0x53: {  	v19 =	vld [tilespmem:s28+$0x10];
	v13, _, _ =	vpop (xrf1);
	(xrf1) =	vsort.ascd.msk.f32 $0xffff, v14, v14  }
0x54: {  	v20 =	vld [tilespmem:s28+$0x20];
	v14, _, _ =	vpop (xrf1);
	(xrf1) =	vsort.dscd.msk.f32 $0xffff, v15, v15  }
0x55: {  	v21 =	vld [tilespmem:s28+$0x30];
	v15, _, _ =	vpop (xrf1);
	(xrf1) =	vsort.ascd.msk.f32 $0xffff, v16, v16  }
0x56: {  	v22 =	vld [tilespmem:s28+$0xFFFFFF00];
	v16, _, _ =	vpop (xrf1);
	(xrf1) =	vsort.dscd.msk.f32 $0xffff, v17, v17  }
0x57: {  	v17, _, _ =	vpop (xrf1);
	(xrf1) =	vsort.ascd.msk.f32 $0xffff, v18, v18  }
0x58: {  	v18, _, _ =	vpop (xrf1);
	(xrf1) =	vsort.dscd.msk.f32 $0xffff, v19, v19  }
0x59: {  	v19, _, _ =	vpop (xrf1);
	(xrf1) =	vsort.ascd.msk.f32 $0xffff, v20, v20  }
0x5a: {  	(xrf1) =	vsort.dscd.msk.f32 $0xffff, v21, v21;
	v21, _, _ =	vpop (xrf1)  }
0x5b: {  	(xrf1) =	vsort.ascd.msk.f32 $0xffff, v22, v22;
	v22, _, _ =	vpop (xrf1)  }
0x5c: {  	v23 =	vmin.f32 v5, v8;
	v20 =	vmin.f32 v6, v11;
	v25 =	vmin.f32 v21, v22  }
0x5d: {  	v24 =	vmin.f32 v20, v23;
	v26, _, _ =	vpop (xrf1)  }
0x5e: {  	(xrf1) =	vsort.ascd.msk.f32 $0xffff, v24, v24;
	v21 =	vmax.f32 v21, v22;
	v22, _, _ =	vpop (xrf1)  }
0x5f: {  	(xrf1) =	vsort.ascd.msk.f32 $0xffff, v25, v25;
	v25, _, _ =	vpop (xrf1)  }
0x60: {  	v24 =	vmax.f32 v26, v22;
	(xrf1) =	vsort.ascd.msk.f32 $0xffff, v21, v21;
	v21 =	vmin.f32 v26, v22;
	v22, _, _ =	vpop (xrf1)  }
0x61: {  	v20 =	vmax.f32 v20, v23;
	(xrf1) =	vsort.dscd.msk.f32 $0xffff, v24, v24;
	v23, _, _ =	vpop (xrf1)  }
0x62: {  	v24 =	vmin.f32 v9, v7;
	v7 =	vmax.f32 v9, v7;
	v9 =	vmax.f32 v22, v23  }
0x63: {  	v6 =	vmax.f32 v6, v11;
	(xrf1) =	vsort.dscd.msk.f32 $0xffff, v21, v21;
	v11 =	vmin.f32 v22, v23  }
0x64: {  	v21, _, _ =	vpop (xrf1);
	(xrf1) =	vsort.ascd.msk.f32 $0xffff, v20, v20  }
0x65: {  	(xrf1) =	vsort.dscd.msk.f32 $0xffff, v9, v9;
	v9, _, _ =	vpop (xrf1)  }
0x66: {  	(xrf1) =	vsort.dscd.msk.f32 $0xffff, v11, v11;
	v11, _, _ =	vpop (xrf1)  }
0x67: {  	v5 =	vmax.f32 v5, v8;
	v8 =	vmin.f32 v21, v9;
	v9 =	vmax.f32 v21, v9;
	v21, _, _ =	vpop (xrf1)  }
0x68: {  	s29 =	simm.s32 $0x180;
	v22 =	vmin.f32 v12, v4;
	v4 =	vmax.f32 v12, v4;
	v12 =	vmax.f32 v11, v21  }
0x69: {  	v20 =	vor.u32 s29, v0;
	(xrf1) =	vsort.ascd.msk.f32 $0xffff, v8, v8;
	v11 =	vmin.f32 v11, v21  }
0x6a: {  	v8 =	vor.u32 s29, v1;
	(xrf1) =	vsort.ascd.msk.f32 $0xffff, v9, v9;
	v9, _, _ =	vpop (xrf1)  }
0x6b: {  	v23 =	vor.u32 s29, v2;
	(xrf1) =	vsort.dscd.msk.f32 $0xffff, v12, v12;
	v12, _, _ =	vpop (xrf1)  }
0x6c: {  	v26 =	vmin.f32 v6, v5;
	v5 =	vmax.f32 v6, v5;
	v6 =	vor.u32 s29, v3;
	(xrf1) =	vsort.dscd.msk.f32 $0xffff, v11, v11;
	v11, _, _ =	vpop (xrf1)  }
0x6d: {  	v21 =	vmin.f32 v9, v12;
	v9 =	vmax.f32 v9, v12;
	v12, _, _ =	vpop (xrf1)  }
0x6e: {  	s18 =	simm.s32 $0x80;
	[tilespmem:v20+s12+$0x0] =	vst.idx.msk vm0, v10;
	v20, _, _ =	vpop (xrf1)  }
0x6f: {  	v27 =	vor.u32 s18, v0;
	[tilespmem:v8+s12+$0x0] =	vst.idx.msk vm2, v13;
	(xrf1) =	vsort.ascd.msk.f32 $0xffff, v21, v21;
	v8 =	vmin.f32 v20, v25  }
0x70: {  	v21 =	vor.u32 s18, v1;
	[tilespmem:v23+s12+$0x0] =	vst.idx.msk vm1, v14;
	v10 =	vmax.f32 v11, v12;
	(xrf1) =	vsort.ascd.msk.f32 $0xffff, v9, v9  }
0x71: {  	[tilespmem:v6+s12+$0x0] =	vst.idx.msk vm3, v15;
	v6 =	vmin.f32 v11, v12;
	(xrf1) =	vsort.dscd.msk.f32 $0xffff, v10, v10;
	v9, _, _ =	vpop (xrf1)  }
0x72: {  	v10 =	vor.u32 s18, v2;
	v13 =	vmax.f32 v20, v25;
	(xrf1) =	vsort.ascd.msk.f32 $0xffff, v8, v8;
	v8, _, _ =	vpop (xrf1)  }
0x73: {  	(xrf1) =	vsort.ascd.msk.f32 $0xffff, v13, v13;
	v11, _, _ =	vpop (xrf1)  }
0x74: {  	[tilespmem:v27+s12+$0x0] =	vst.idx.msk vm0, v16;
	v28 =	vmin.f32 v24, v22;
	v14 =	vor.u32 s18, v3;
	(xrf1) =	vsort.dscd.msk.f32 $0xffff, v6, v6;
	v6, _, _ =	vpop (xrf1)  }
0x75: {  	s30 =	simm.s32 $0x0;
	v12 =	vmax.f32 v24, v22;
	[tilespmem:v21+s12+$0x0] =	vst.idx.msk vm2, v17;
	v16, _, _ =	vpop (xrf1);
	(xrf1) =	vsort.ascd.msk.f32 $0xffff, v26, v26  }
0x76: {  	v13 =	vor.u32 s30, v0;
	v20 =	vmin.f32 v8, v6;
	v21 =	vmin.f32 v11, v16;
	(xrf1) =	vsort.ascd.msk.f32 $0xffff, v5, v5  }
0x77: {  	[tilespmem:v10+s12+$0x0] =	vst.idx.msk vm1, v18;
	v22, _, _ =	vpop (xrf1);
	v5 =	vmin.f32 v20, v21;
	(xrf1) =	vsort.ascd.msk.f32 $0xffff, v28, v28  }
0x78: {  	v10, _, _ =	vpop (xrf1);
	(xrf1) =	vsort.ascd.msk.f32 $0xffff, v5, v5;
	v5 =	vmax.f32 v8, v6;
	v6 =	vmax.f32 v11, v16  }
0x79: {  	[tilespmem:v14+s12+$0x0] =	vst.idx.msk vm3, v19;
	v14, _, _ =	vpop (xrf1);
	v8 =	vmin.f32 v5, v6  }
0x7a: {  	v23 =	vmax.f32 v7, v4;
	v15 =	vmin.f32 v7, v4;
	v4 =	vmax.f32 v20, v21;
	v7, _, _ =	vpop (xrf1)  }
0x7b: {  	[tilespmem:v13+s12+$0x0] =	vst.idx.msk vm0, v9;
	(xrf1) =	vsort.ascd.msk.f32 $0xffff, v4, v4;
	v9, _, _ =	vpop (xrf1)  }
0x7c: {  	v17 =	vor.u32 s30, v1;
	v5 =	vmax.f32 v5, v6;
	(xrf1) =	vsort.ascd.msk.f32 $0xffff, v8, v8;
	v8, _, _ =	vpop (xrf1)  }
0x7d: {  	(xrf1) =	vsort.ascd.msk.f32 $0xffff, v5, v5;
	v11 =	vmin.f32 v7, v8;
	v13 =	vmax.f32 v7, v8;
	v7, _, _ =	vpop (xrf1)  }
0x7e: {  	(xrf1) =	vsort.ascd.msk.f32 $0xffff, v12, v12;
	v12 =	vmin.f32 v9, v7  }
0x7f: {  	s31 =	simm.s32 $0x380;
	(xrf1) =	vsort.ascd.msk.f32 $0xffff, v15, v15;
	v15 =	vmin.f32 v11, v12  }
0x80: {  	s19 =	simm.s32 $0x100;
	v27 =	vor.u32 s31, v2;
	v25 =	vor.u32 s31, v0;
	v26 =	vor.u32 s31, v1;
	v16, _, _ =	vpop (xrf1)  }
0x81: {  	s18 =	simm.s32 $0x500;
	[tilespmem:v17+s12+$0x0] =	vst.idx.msk vm2, v22;
	v4 =	vor.u32 s19, v0;
	v9 =	vmax.f32 v9, v7;
	v11 =	vmax.f32 v11, v12;
	v12, _, _ =	vpop (xrf1)  }
0x82: {  	v19 =	vld [tilespmem:s18+$0x80];
	v6 =	vor.u32 s19, v1;
	v17 =	vmin.f32 v13, v9;
	v13 =	vmax.f32 v13, v9;
	(xrf1) =	vsort.ascd.msk.f32 $0xffff, v15, v15;
	v15, _, _ =	vpop (xrf1)  }
0x83: {  	v28 =	vld [tilespmem:s18+$0x90];
	v5 =	vor.u32 s19, v2;
	v29 =	vmin.f32 v16, v15;
	v15 =	vmax.f32 v16, v15;
	v16, _, _ =	vpop (xrf1);
	(xrf1) =	vsort.ascd.msk.f32 $0xffff, v11, v11  }
0x84: {  	v8 =	vor.u32 s30, v2;
	v11 =	vld [tilespmem:s18+$0xA0];
	v22 =	vmin.f32 v16, v10;
	v16 =	vmax.f32 v16, v10;
	v18, _, _ =	vpop (xrf1);
	(xrf1) =	vsort.ascd.msk.f32 $0xffff, v17, v17  }
0x85: {  	v20 =	vld [tilespmem:s18+$0xB0];
	v7 =	vor.u32 s19, v3;
	v17 =	vmin.f32 v18, v14;
	v14 =	vmax.f32 v18, v14;
	(xrf1) =	vsort.ascd.msk.f32 $0xffff, v13, v13;
	v13, _, _ =	vpop (xrf1)  }
0x86: {  	v30 =	vld [tilespmem:s18+$0xFFFFFF10];
	s19 =	simm.s32 $0x200;
	v9 =	vor.u32 s30, v3;
	v34 =	vmin.f32 v12, v13;
	v18 =	vmax.f32 v12, v13;
	v21, _, _ =	vpop (xrf1);
	(xrf1) =	vsort.ascd.msk.f32 $0xffff, v23, v23  }
0x87: {  	v31 =	vld [tilespmem:s18+$0xFFFFFF20];
	v10 =	vor.u32 s19, v0;
	v24 =	vmin.f32 v22, v17;
	(xrf1) =	vsort.ascd.msk.f32 $0xffff, v19, v19;
	v19 =	vmax.f32 v22, v17;
	v22, _, _ =	vpop (xrf1)  }
0x88: {  	s22 =	simm.s32 $0x280;
	v32 =	vld [tilespmem:s18+$0xFFFFFF30];
	v13 =	vmin.f32 v16, v14;
	v12 =	vmax.f32 v16, v14;
	(xrf1) =	vsort.dscd.msk.f32 $0xffff, v28, v28;
	v28 =	vor.u32 s31, v3;
	v16, _, _ =	vpop (xrf1)  }
0x89: {  	s20 =	simm.s32 $0x300;
	s21 =	simm.s32 $0xC;
	s17 =	simm.s32 $0x8;
	v33 =	vld [tilespmem:s18+$0xFFFFFF80];
	v23 =	vor.u32 s22, v0;
	v14 =	vmin.f32 v29, v34;
	(xrf1) =	vsort.ascd.msk.f32 $0xffff, v11, v11;
	v11 =	vmax.f32 v29, v34;
	v29, _, _ =	vpop (xrf1)  }
.LBB2_3:
0x8a: {  	p0 =	slt.u32 s21, $0xFC;
	v34 =	vld [tilespmem:s18+$0xFFFFFF90];
	(xrf1) =	vsort.dscd.msk.f32 $0xffff, v20, v20;
	v35 =	vor.u32 s22, v1;
	v20 =	vmin.f32 v15, v18;
	[tilespmem:v25+s12+$0x0] =	vst.idx.msk vm0, v29;
	v25, _, _ =	vpop (xrf1)  }
0x8b: {  	v17 =	vmax.f32 v15, v18;
	v29 =	vld [tilespmem:s18+$0xFFFFFFA0];
	(xrf1) =	vsort.dscd.msk.f32 $0xffff, v30, v30;
	v30 =	vor.u32 s22, v2;
	[tilespmem:v26+s12+$0x0] =	vst.idx.msk vm2, v25;
	v15, _, _ =	vpop (xrf1)  }
0x8c: {  	v25 =	vor.u32 s22, v3;
	v26 =	vor.u32 s20, v0;
	v18 =	vld [tilespmem:s18+$0xFFFFFFB0];
	(xrf1) =	vsort.ascd.msk.f32 $0xffff, v31, v31;
	[tilespmem:v27+s12+$0x0] =	vst.idx.msk vm1, v15;
	v15, _, _ =	vpop (xrf1)  }
0x8d: {  	v31 =	vor.u32 s20, v1;
	v27 =	vld [tilespmem:s18+$0x0];
	(xrf1) =	vsort.dscd.msk.f32 $0xffff, v32, v32;
	v32 =	vor.u32 s20, v2;
	[tilespmem:v28+s12+$0x0] =	vst.idx.msk vm3, v15;
	v28, _, _ =	vpop (xrf1)  }
0x8e: {  	v37 =	vor.u32 s20, v3;
	v15 =	vor.u32 s19, v1;
	v36 =	vld [tilespmem:s18+$0x10];
	(xrf1) =	vsort.ascd.msk.f32 $0xffff, v33, v33;
	v33 =	vor.u32 s19, v2;
	v38, _, _ =	vpop (xrf1)  }
0x8f: {  	v39 =	vld [tilespmem:s18+$0x20];
	(xrf1) =	vsort.dscd.msk.f32 $0xffff, v34, v34;
	v34 =	vor.u32 s19, v3;
	[tilespmem:v8+s12+$0x0] =	vst.idx.msk vm1, v21;
	v8 =	vmov v33  }
0x90: {  	v21 =	vld [tilespmem:s18+$0x30];
	(xrf1) =	vsort.ascd.msk.f32 $0xffff, v29, v29;
	v29, _, _ =	vpop (xrf1);
	[tilespmem:v9+s12+$0x0] =	vst.idx.msk vm3, v22;
	v9 =	vmov v34  }
0x91: {  	v22 =	vld [tilespmem:s18+$0xFFFFFF00];
	(xrf1) =	vsort.dscd.msk.f32 $0xffff, v18, v18;
	[tilespmem:v23+s12+$0x0] =	vst.idx.msk vm0, v29;
	v18, _, _ =	vpop (xrf1)  }
0x92: {  	(xrf1) =	vsort.ascd.msk.f32 $0xffff, v27, v27;
	[tilespmem:v35+s12+$0x0] =	vst.idx.msk vm2, v18;
	v18, _, _ =	vpop (xrf1)  }
0x93: {  	(xrf1) =	vsort.dscd.msk.f32 $0xffff, v36, v36;
	[tilespmem:v30+s12+$0x0] =	vst.idx.msk vm1, v18;
	v18, _, _ =	vpop (xrf1)  }
0x94: {  	(xrf1) =	vsort.ascd.msk.f32 $0xffff, v39, v39;
	[tilespmem:v25+s12+$0x0] =	vst.idx.msk vm3, v18;
	v18, _, _ =	vpop (xrf1)  }
0x95: {  	(xrf1) =	vsort.dscd.msk.f32 $0xffff, v21, v21;
	v21, _, _ =	vpop (xrf1);
	[tilespmem:v4+s12+$0x0] =	vst.idx.msk vm0, v16;
	v4 =	vmov v26  }
0x96: {  	(xrf1) =	vsort.ascd.msk.f32 $0xffff, v22, v22;
	v16, _, _ =	vpop (xrf1);
	[tilespmem:v6+s12+$0x0] =	vst.idx.msk vm2, v28;
	v6 =	vmov v31  }
0x97: {  	v25 =	vmin.f32 v21, v16;
	v23, _, _ =	vpop (xrf1);
	(xrf1) =	vsort.ascd.msk.f32 $0xffff, v24, v24;
	[tilespmem:v5+s12+$0x0] =	vst.idx.msk vm1, v38;
	v5 =	vmov v32  }
0x98: {  	v16 =	vmax.f32 v21, v16;
	v21, _, _ =	vpop (xrf1);
	(xrf1) =	vsort.ascd.msk.f32 $0xffff, v25, v25;
	[tilespmem:v7+s12+$0x0] =	vst.idx.msk vm3, v18;
	v7 =	vmov v37  }
0x99: {  	v24 =	vmax.f32 v23, v21;
	v22, _, _ =	vpop (xrf1);
	(xrf1) =	vsort.ascd.msk.f32 $0xffff, v16, v16  }
0x9a: {  	v16 =	vmin.f32 v23, v21;
	v21, _, _ =	vpop (xrf1);
	(xrf1) =	vsort.dscd.msk.f32 $0xffff, v24, v24  }
0x9b: {  	v18, _, _ =	vpop (xrf1);
	(xrf1) =	vsort.dscd.msk.f32 $0xffff, v16, v16  }
0x9c: {  	v24 =	vmin.f32 v21, v18;
	v23 =	vmax.f32 v21, v18;
	v21, _, _ =	vpop (xrf1);
	(xrf1) =	vsort.ascd.msk.f32 $0xffff, v19, v19  }
0x9d: {  	(xrf1) =	vsort.dscd.msk.f32 $0xffff, v23, v23;
	v18, _, _ =	vpop (xrf1)  }
0x9e: {  	v19 =	vmin.f32 v21, v18;
	v23 =	vmax.f32 v21, v18;
	(xrf1) =	vsort.dscd.msk.f32 $0xffff, v24, v24;
	v16, _, _ =	vpop (xrf1)  }
0x9f: {  	v21, _, _ =	vpop (xrf1);
	(xrf1) =	vsort.ascd.msk.f32 $0xffff, v19, v19  }
0xa0: {  	v19 =	vmin.f32 v16, v21;
	v21 =	vmax.f32 v16, v21;
	(xrf1) =	vsort.ascd.msk.f32 $0xffff, v23, v23;
	v18, _, _ =	vpop (xrf1)  }
0xa1: {  	(xrf1) =	vsort.dscd.msk.f32 $0xffff, v21, v21;
	v16, _, _ =	vpop (xrf1)  }
0xa2: {  	v21 =	vmin.f32 v18, v16;
	v16 =	vmax.f32 v18, v16;
	(xrf1) =	vsort.dscd.msk.f32 $0xffff, v19, v19;
	v18, _, _ =	vpop (xrf1)  }
0xa3: {  	v19, _, _ =	vpop (xrf1);
	(xrf1) =	vsort.ascd.msk.f32 $0xffff, v21, v21  }
0xa4: {  	v21 =	vmin.f32 v18, v19;
	v23 =	vmax.f32 v18, v19;
	v19, _, _ =	vpop (xrf1);
	(xrf1) =	vsort.ascd.msk.f32 $0xffff, v16, v16  }
0xa5: {  	v24 =	vmin.f32 v19, v22;
	v19 =	vmax.f32 v19, v22;
	(xrf1) =	vsort.dscd.msk.f32 $0xffff, v23, v23;
	v18, _, _ =	vpop (xrf1)  }
0xa6: {  	(xrf1) =	vsort.ascd.msk.f32 $0xffff, v24, v24;
	v16, _, _ =	vpop (xrf1);
	[tilespmem:v10+s12+$0x0] =	vst.idx.msk vm0, v18  }
0xa7: {  	(xrf1) =	vsort.ascd.msk.f32 $0xffff, v19, v19;
	v10, _, _ =	vpop (xrf1)  }
0xa8: {  	(xrf1) =	vsort.dscd.msk.f32 $0xffff, v21, v21;
	v18, _, _ =	vpop (xrf1)  }
0xa9: {  	v19, _, _ =	vpop (xrf1);
	(xrf1) =	vsort.ascd.msk.f32 $0xffff, v13, v13  }
0xaa: {  	v13 =	vmin.f32 v16, v18;
	v21 =	vmin.f32 v10, v19;
	v22, _, _ =	vpop (xrf1);
	(xrf1) =	vsort.ascd.msk.f32 $0xffff, v12, v12  }
0xab: {  	v12 =	vmax.f32 v16, v18;
	v16 =	vmin.f32 v13, v21;
	v18, _, _ =	vpop (xrf1);
	(xrf1) =	vsort.ascd.msk.f32 $0xffff, v14, v14  }
0xac: {  	v10 =	vmax.f32 v10, v19;
	v13 =	vmax.f32 v13, v21;
	v14, _, _ =	vpop (xrf1);
	(xrf1) =	vsort.ascd.msk.f32 $0xffff, v16, v16  }
0xad: {  	v16 =	vmin.f32 v12, v10;
	v19, _, _ =	vpop (xrf1);
	(xrf1) =	vsort.ascd.msk.f32 $0xffff, v13, v13;
	[tilespmem:v15+s12+$0x0] =	vst.idx.msk vm2, v22  }
0xae: {  	v10 =	vmax.f32 v12, v10;
	v12, _, _ =	vpop (xrf1);
	(xrf1) =	vsort.ascd.msk.f32 $0xffff, v16, v16  }
0xaf: {  	v13, _, _ =	vpop (xrf1);
	(xrf1) =	vsort.ascd.msk.f32 $0xffff, v10, v10  }
0xb0: {  	v10 =	vmin.f32 v19, v13;
	v13 =	vmax.f32 v19, v13;
	v15, _, _ =	vpop (xrf1);
	(xrf1) =	vsort.ascd.msk.f32 $0xffff, v11, v11  }
0xb1: {  	v11 =	vmin.f32 v12, v15;
	v12 =	vmax.f32 v12, v15;
	v15, _, _ =	vpop (xrf1);
	(xrf1) =	vsort.ascd.msk.f32 $0xffff, v20, v20  }
0xb2: {  	s18 =	sadd.s32 $0x200, s18;
	v16 =	vmin.f32 v10, v11;
	v10 =	vmax.f32 v10, v11;
	v11 =	vmin.f32 v13, v12;
	v19, _, _ =	vpop (xrf1)  }
0xb3: {  	v12 =	vmax.f32 v13, v12;
	v22 =	vld [tilespmem:s18+$0x80];
	(xrf1) =	vsort.ascd.msk.f32 $0xffff, v16, v16;
	v13, _, _ =	vpop (xrf1)  }
0xb4: {  	s19 =	sshll.u32 s17, $0x7;
	s17 =	smov.u32 s21;
	v16 =	vld [tilespmem:s18+$0x90];
	v29 =	vmin.f32 v15, v13;
	v15 =	vmax.f32 v15, v13;
	v13, _, _ =	vpop (xrf1);
	(xrf1) =	vsort.ascd.msk.f32 $0xffff, v10, v10  }
0xb5: {  	s22 =	sadd.s32 $0x80, s19;
	s20 =	sadd.s32 $0x100, s19;
	s23 =	sadd.s32 $0x180, s19;
	v10 =	vor.u32 s19, v0;
	v23 =	vld [tilespmem:s18+$0xA0];
	v27 =	vmin.f32 v13, v18;
	v28 =	vmax.f32 v13, v18;
	v13, _, _ =	vpop (xrf1);
	(xrf1) =	vsort.ascd.msk.f32 $0xffff, v11, v11  }
.Ltmp2:
0xb6: {  	v25 =	vor.u32 s23, v0;
	v20 =	vld [tilespmem:s18+$0xB0];
	v11 =	vmin.f32 v13, v14;
	v14 =	vmax.f32 v13, v14;
	(xrf1) =	vsort.ascd.msk.f32 $0xffff, v12, v12;
	v12, _, _ =	vpop (xrf1);
	(pc) =	sbr.rel @p0 .LBB2_3-.Ltmp2, $4  }
0xb7: {  	v26 =	vor.u32 s23, v1;
	v30 =	vld [tilespmem:s18+$0xFFFFFF10];
	v34 =	vmin.f32 v19, v12;
	v18 =	vmax.f32 v19, v12;
	v21, _, _ =	vpop (xrf1);
	(xrf1) =	vsort.ascd.msk.f32 $0xffff, v17, v17  }
0xb8: {  	v24 =	vmin.f32 v27, v11;
	v19 =	vmax.f32 v27, v11;
	v27 =	vor.u32 s23, v2;
	v31 =	vld [tilespmem:s18+$0xFFFFFF20];
	(xrf1) =	vsort.ascd.msk.f32 $0xffff, v22, v22;
	v22, _, _ =	vpop (xrf1)  }
0xb9: {  	v13 =	vmin.f32 v28, v14;
	v12 =	vmax.f32 v28, v14;
	v28 =	vor.u32 s23, v3;
	v32 =	vld [tilespmem:s18+$0xFFFFFF30];
	(xrf1) =	vsort.dscd.msk.f32 $0xffff, v16, v16;
	v16, _, _ =	vpop (xrf1)  }
0xba: {  	s21 =	sadd.s32 $0x4, s21;
	v14 =	vmin.f32 v29, v34;
	v11 =	vmax.f32 v29, v34;
	v33 =	vld [tilespmem:s18+$0xFFFFFF80];
	(xrf1) =	vsort.ascd.msk.f32 $0xffff, v23, v23;
	v23 =	vor.u32 s22, v0;
	v29, _, _ =	vpop (xrf1)  }
0xbb: {  	(xrf1) =	vsort.dscd.msk.f32 $0xffff, v20, v20  }
0xbc: {  	v34 =	vld [tilespmem:s18+$0xFFFFFF90];
	v20, _, _ =	vpop (xrf1);
	(xrf1) =	vsort.dscd.msk.f32 $0xffff, v30, v30  }
0xbd: {  	v35 =	vld [tilespmem:s18+$0xFFFFFFA0];
	v30, _, _ =	vpop (xrf1);
	(xrf1) =	vsort.ascd.msk.f32 $0xffff, v31, v31  }
0xbe: {  	v36 =	vld [tilespmem:s18+$0xFFFFFFB0];
	v31, _, _ =	vpop (xrf1);
	(xrf1) =	vsort.dscd.msk.f32 $0xffff, v32, v32  }
0xbf: {  	v37 =	vld [tilespmem:s18+$0x0];
	v63, _, _ =	vpop (xrf1)  }
0xc0: {  	v38 =	vld [tilespmem:s18+$0x10];
	(xrf1) =	vsort.ascd.msk.f32 $0xffff, v33, v33;
	v17, _, _ =	vpop (xrf1)  }
0xc1: {  	v42 =	vld [tilespmem:s18+$0x20];
	(xrf1) =	vsort.dscd.msk.f32 $0xffff, v34, v34;
	v44, _, _ =	vpop (xrf1)  }
0xc2: {  	v43 =	vld [tilespmem:s18+$0x30];
	(xrf1) =	vsort.ascd.msk.f32 $0xffff, v35, v35;
	v45, _, _ =	vpop (xrf1)  }
0xc3: {  	v39 =	vld [tilespmem:s18+$0xFFFFFF00];
	(xrf1) =	vsort.dscd.msk.f32 $0xffff, v36, v36;
	v46, _, _ =	vpop (xrf1)  }
0xc4: {  	(xrf1) =	vsort.ascd.msk.f32 $0xffff, v37, v37;
	v47, _, _ =	vpop (xrf1)  }
0xc5: {  	(xrf1) =	vsort.dscd.msk.f32 $0xffff, v38, v38;
	v48, _, _ =	vpop (xrf1)  }
0xc6: {  	(xrf1) =	vsort.ascd.msk.f32 $0xffff, v42, v42;
	v49, _, _ =	vpop (xrf1)  }
0xc7: {  	(xrf1) =	vsort.dscd.msk.f32 $0xffff, v43, v43;
	v50, _, _ =	vpop (xrf1)  }
0xc8: {  	(xrf1) =	vsort.ascd.msk.f32 $0xffff, v39, v39;
	v41, _, _ =	vpop (xrf1)  }
0xc9: {  	v40 =	vmin.f32 v49, v50;
	(xrf1) =	vsort.ascd.msk.f32 $0xffff, v24, v24;
	v51, _, _ =	vpop (xrf1)  }
0xca: {  	v24 =	vmax.f32 v49, v50;
	(xrf1) =	vsort.ascd.msk.f32 $0xffff, v40, v40;
	v53, _, _ =	vpop (xrf1)  }
0xcb: {  	v52 =	vmax.f32 v41, v51;
	(xrf1) =	vsort.ascd.msk.f32 $0xffff, v24, v24;
	v54, _, _ =	vpop (xrf1)  }
0xcc: {  	v24 =	vmin.f32 v41, v51;
	(xrf1) =	vsort.dscd.msk.f32 $0xffff, v52, v52;
	v55, _, _ =	vpop (xrf1)  }
0xcd: {  	(xrf1) =	vsort.dscd.msk.f32 $0xffff, v24, v24;
	v24 =	vmax.f32 v54, v55  }
0xce: {  	v56, _, _ =	vpop (xrf1);
	(xrf1) =	vsort.ascd.msk.f32 $0xffff, v19, v19;
	v19 =	vmin.f32 v54, v55;
	_ =	sdelay $0x1  }
0xcf: {  	(xrf1) =	vsort.dscd.msk.f32 $0xffff, v24, v24;
	v24, _, _ =	vpop (xrf1)  }
0xd0: {  	(xrf1) =	vsort.dscd.msk.f32 $0xffff, v19, v19;
	v57 =	vmin.f32 v56, v24;
	v19, _, _ =	vpop (xrf1);
	v24 =	vmax.f32 v56, v24  }
0xd1: {  	v58, _, _ =	vpop (xrf1)  }
0xd2: {  	(xrf1) =	vsort.ascd.msk.f32 $0xffff, v57, v57;
	v59 =	vmax.f32 v19, v58;
	v19 =	vmin.f32 v19, v58  }
0xd3: {  	(xrf1) =	vsort.ascd.msk.f32 $0xffff, v24, v24;
	v24, _, _ =	vpop (xrf1)  }
0xd4: {  	(xrf1) =	vsort.dscd.msk.f32 $0xffff, v59, v59;
	v60, _, _ =	vpop (xrf1)  }
0xd5: {  	(xrf1) =	vsort.dscd.msk.f32 $0xffff, v19, v19;
	v19, _, _ =	vpop (xrf1)  }
0xd6: {  	[tilespmem:v25+s12+$0x0] =	vst.idx.msk vm0, v29;
	v61 =	vmin.f32 v24, v60;
	v24 =	vmax.f32 v24, v60;
	v62, _, _ =	vpop (xrf1)  }
0xd7: {  	[tilespmem:v26+s12+$0x0] =	vst.idx.msk vm2, v20;
	v25, _, _ =	vpop (xrf1);
	v20 =	vmax.f32 v19, v62  }
0xd8: {  	(xrf1) =	vsort.ascd.msk.f32 $0xffff, v61, v61;
	v26 =	vmin.f32 v25, v53  }
0xd9: {  	(xrf1) =	vsort.ascd.msk.f32 $0xffff, v24, v24;
	v24, _, _ =	vpop (xrf1)  }
0xda: {  	[tilespmem:v8+s12+$0x0] =	vst.idx.msk vm1, v21;
	v8 =	vmin.f32 v19, v62;
	(xrf1) =	vsort.dscd.msk.f32 $0xffff, v20, v20;
	v20, _, _ =	vpop (xrf1)  }
0xdb: {  	v25 =	vmax.f32 v25, v53;
	(xrf1) =	vsort.ascd.msk.f32 $0xffff, v26, v26;
	v26, _, _ =	vpop (xrf1)  }
0xdc: {  	v21 =	vor.u32 s22, v1;
	[tilespmem:v4+s12+$0x0] =	vst.idx.msk vm0, v16;
	(xrf1) =	vsort.ascd.msk.f32 $0xffff, v25, v25;
	v19, _, _ =	vpop (xrf1)  }
0xdd: {  	[tilespmem:v9+s12+$0x0] =	vst.idx.msk vm3, v22;
	(xrf1) =	vsort.dscd.msk.f32 $0xffff, v8, v8;
	v8, _, _ =	vpop (xrf1)  }
0xde: {  	[tilespmem:v23+s12+$0x0] =	vst.idx.msk vm0, v44;
	v23 =	vmin.f32 v20, v19;
	v25 =	vmin.f32 v26, v8  }
0xdf: {  	v9 =	vor.u32 s22, v2;
	(xrf1) =	vsort.ascd.msk.f32 $0xffff, v13, v13;
	v19 =	vmax.f32 v20, v19;
	v13, _, _ =	vpop (xrf1);
	v20 =	vmin.f32 v23, v25  }
0xe0: {  	[tilespmem:v27+s12+$0x0] =	vst.idx.msk vm1, v30;
	(xrf1) =	vsort.ascd.msk.f32 $0xffff, v12, v12;
	v12, _, _ =	vpop (xrf1);
	v23 =	vmax.f32 v23, v25  }
0xe1: {  	[tilespmem:v21+s12+$0x0] =	vst.idx.msk vm2, v45;
	v8 =	vmax.f32 v26, v8;
	(xrf1) =	vsort.ascd.msk.f32 $0xffff, v14, v14;
	v14, _, _ =	vpop (xrf1)  }
0xe2: {  	v21 =	vmin.f32 v19, v8;
	v8 =	vmax.f32 v19, v8;
	(xrf1) =	vsort.ascd.msk.f32 $0xffff, v20, v20;
	v20, _, _ =	vpop (xrf1)  }
0xe3: {  	[tilespmem:v28+s12+$0x0] =	vst.idx.msk vm3, v31;
	(xrf1) =	vsort.ascd.msk.f32 $0xffff, v23, v23;
	v23, _, _ =	vpop (xrf1)  }
0xe4: {  	[tilespmem:v9+s12+$0x0] =	vst.idx.msk vm1, v46;
	(xrf1) =	vsort.ascd.msk.f32 $0xffff, v21, v21;
	v9, _, _ =	vpop (xrf1)  }
0xe5: {  	v19 =	vmin.f32 v15, v18;
	(xrf1) =	vsort.ascd.msk.f32 $0xffff, v8, v8;
	v8, _, _ =	vpop (xrf1);
	v21 =	vmin.f32 v20, v9  }
0xe6: {  	(xrf1) =	vsort.ascd.msk.f32 $0xffff, v11, v11;
	v9 =	vmax.f32 v20, v9;
	v11 =	vmin.f32 v23, v8  }
0xe7: {  	v20, _, _ =	vpop (xrf1);
	(xrf1) =	vsort.ascd.msk.f32 $0xffff, v19, v19;
	v8 =	vmax.f32 v23, v8;
	v19 =	vmin.f32 v21, v11  }
0xe8: {  	[tilespmem:v6+s12+$0x0] =	vst.idx.msk vm2, v63;
	v11 =	vmax.f32 v21, v11;
	v21, _, _ =	vpop (xrf1);
	(xrf1) =	vsort.ascd.msk.f32 $0xffff, v19, v19;
	v19 =	vor.u32 s19, v1  }
0xe9: {  	v22 =	vor.u32 s22, v3;
	[tilespmem:v5+s12+$0x0] =	vst.idx.msk vm1, v17;
	v4 =	vmin.f32 v9, v8;
	v16, _, _ =	vpop (xrf1);
	(xrf1) =	vsort.ascd.msk.f32 $0xffff, v11, v11  }
0xea: {  	s17 =	sshll.u32 s17, $0x7;
	[tilespmem:v7+s12+$0x0] =	vst.idx.msk vm3, v48;
	v6 =	vmax.f32 v9, v8;
	v8, _, _ =	vpop (xrf1);
	(xrf1) =	vsort.ascd.msk.f32 $0xffff, v4, v4  }
0xeb: {  	s31 =	sadd.s32 $0x180, s17;
	[tilespmem:v10+s12+$0x0] =	vst.idx.msk vm0, v24;
	v4 =	vmax.f32 v15, v18;
	v5, _, _ =	vpop (xrf1)  }
0xec: {  	v9 =	vor.u32 s31, v0;
	v7 =	vmax.f32 v20, v16;
	(xrf1) =	vsort.ascd.msk.f32 $0xffff, v6, v6;
	v10 =	vmin.f32 v8, v12;
	v11, _, _ =	vpop (xrf1)  }
0xed: {  	v8 =	vmax.f32 v8, v12;
	v12 =	vor.u32 s31, v1;
	v15, _, _ =	vpop (xrf1);
	[tilespmem:v19+s12+$0x0] =	vst.idx.msk vm2, v13;
	v13 =	vmin.f32 v5, v14  }
0xee: {  	[tilespmem:v22+s12+$0x0] =	vst.idx.msk vm3, v47;
	v6 =	vmin.f32 v20, v16;
	v5 =	vmax.f32 v5, v14;
	v14 =	vor.u32 s31, v2;
	v16, _, _ =	vpop (xrf1)  }
0xef: {  	v18 =	vor.u32 s31, v3;
	(xrf1) =	vsort.ascd.msk.f32 $0xffff, v4, v4;
	v17 =	vmin.f32 v21, v11;
	v4 =	vmin.f32 v10, v13;
	v19, _, _ =	vpop (xrf1)  }
0xf0: {  	v20 =	vor.u32 s19, v2;
	v11 =	vmax.f32 v21, v11;
	v10 =	vmax.f32 v10, v13;
	(xrf1) =	vsort.ascd.msk.f32 $0xffff, v4, v4;
	v13, _, _ =	vpop (xrf1)  }
0xf1: {  	s21 =	sadd.s32 $0x80, s17;
	v21 =	vmin.f32 v8, v5;
	v4 =	vor.u32 s19, v3;
	(xrf1) =	vsort.ascd.msk.f32 $0xffff, v10, v10;
	[tilespmem:v9+s12+$0x0] =	vst.idx.msk vm0, v13;
	v9, _, _ =	vpop (xrf1)  }
0xf2: {  	v5 =	vmax.f32 v8, v5;
	v8 =	vor.u32 s21, v0;
	(xrf1) =	vsort.ascd.msk.f32 $0xffff, v21, v21;
	[tilespmem:v12+s12+$0x0] =	vst.idx.msk vm2, v9;
	v9, _, _ =	vpop (xrf1)  }
0xf3: {  	v10 =	vmin.f32 v6, v17;
	v12 =	vor.u32 s21, v1;
	(xrf1) =	vsort.ascd.msk.f32 $0xffff, v5, v5;
	[tilespmem:v14+s12+$0x0] =	vst.idx.msk vm1, v9;
	v9, _, _ =	vpop (xrf1)  }
0xf4: {  	v5 =	vmax.f32 v6, v17;
	v6 =	vor.u32 s21, v2;
	(xrf1) =	vsort.ascd.msk.f32 $0xffff, v10, v10;
	[tilespmem:v18+s12+$0x0] =	vst.idx.msk vm3, v9;
	v9, _, _ =	vpop (xrf1)  }
0xf5: {  	[tilespmem:v20+s12+$0x0] =	vst.idx.msk vm1, v15;
	v10 =	vmin.f32 v7, v11;
	(xrf1) =	vsort.ascd.msk.f32 $0xffff, v5, v5;
	v5 =	vor.u32 s20, v0;
	v14, _, _ =	vpop (xrf1)  }
0xf6: {  	v13 =	vor.u32 s21, v3;
	v7 =	vmax.f32 v7, v11;
	[tilespmem:v4+s12+$0x0] =	vst.idx.msk vm3, v16;
	(xrf1) =	vsort.ascd.msk.f32 $0xffff, v10, v10;
	v11, _, _ =	vpop (xrf1)  }
0xf7: {  	v4 =	vor.u32 s20, v1;
	(xrf1) =	vsort.ascd.msk.f32 $0xffff, v7, v7;
	[tilespmem:v8+s12+$0x0] =	vst.idx.msk vm0, v11;
	v8, _, _ =	vpop (xrf1)  }
0xf8: {  	v7 =	vor.u32 s20, v2;
	[tilespmem:v12+s12+$0x0] =	vst.idx.msk vm2, v8;
	v8, _, _ =	vpop (xrf1)  }
0xf9: {  	v10 =	vor.u32 s20, v3;
	[tilespmem:v6+s12+$0x0] =	vst.idx.msk vm1, v8  }
0xfa: {  	v6, _, _ =	vpop (xrf1);
	v8 =	vor.u32 s17, v0;
	[tilespmem:v5+s12+$0x0] =	vst.idx.msk vm0, v19  }
0xfb: {  	[tilespmem:v13+s12+$0x0] =	vst.idx.msk vm3, v6;
	v6 =	vor.u32 s17, v1  }
0xfc: {  	v5 =	vor.u32 s17, v2;
	[tilespmem:v4+s12+$0x0] =	vst.idx.msk vm2, v9  }
0xfd: {  	s22 =	sadd.s32 $0x100, s17;
	v4 =	vor.u32 s17, v3;
	v9, _, _ =	vpop (xrf1);
	[tilespmem:v7+s12+$0x0] =	vst.idx.msk vm1, v14  }
0xfe: {  	v7 =	vor.u32 s22, v0;
	[tilespmem:v10+s12+$0x0] =	vst.idx.msk vm3, v9;
	v9, _, _ =	vpop (xrf1)  }
0xff: {  	v10 =	vor.u32 s22, v1;
	[tilespmem:v8+s12+$0x0] =	vst.idx.msk vm0, v9;
	v8, _, _ =	vpop (xrf1)  }
0x100: {  	v9 =	vor.u32 s22, v2;
	[tilespmem:v6+s12+$0x0] =	vst.idx.msk vm2, v8;
	v6, _, _ =	vpop (xrf1)  }
0x101: {  	v8 =	vor.u32 s22, v3;
	v11, _, _ =	vpop (xrf1);
	[tilespmem:v5+s12+$0x0] =	vst.idx.msk vm1, v6  }
0x102: {  	v5, _, _ =	vpop (xrf1);
	[tilespmem:v4+s12+$0x0] =	vst.idx.msk vm3, v11  }
0x103: {  	v4, _, _ =	vpop (xrf1);
	[tilespmem:v7+s12+$0x0] =	vst.idx.msk vm0, v5  }
0x104: {  	v5, _, _ =	vpop (xrf1);
	[tilespmem:v10+s12+$0x0] =	vst.idx.msk vm2, v4  }
0x105: {  	s17 =	sshll.u32 s16, $0xD;
	v4, _, _ =	vpop (xrf1);
	[tilespmem:v9+s12+$0x0] =	vst.idx.msk vm1, v5  }
0x106: {  	s23 =	sadd.s32 s17, s5;
	[tilespmem:v8+s12+$0x0] =	vst.idx.msk vm3, v4  }
0x107: {  	[hbm4b:s23+s2] =	stream.linear.scatter [tilespmem:s12], [sflag:$0x3], $0x8000, $0x38;
	[tilespmem:$0x18000] =	vst v63  }
0x108: {  	_ =	swait.ge [sflag:s13], $0x8000  }
0x109: {  	p0 =	seq.s32 s16, $0x1F;
	[sflag:s13] =	ssyncset.done $0x0  }
0x10a: {  	s19 =	simm.s32 @!p0 $0x0;
	s18 =	sadd.s32 @!p0 s17, s6;
	[sflag:s13] =	ssyncadd.s32 $0xFFFF8000  }
0x10b: {  	[tilespmem:s19], [sflag:$0x1] =	stream.linear.gather @!p0 [hbm4b:s18+s19], $0x8000, $0x38;
	[tilespmem:$0x18000] =	vst v63  }
0x10c: {  	_ =	swait.ge [sflag:s14], $0x8000  }
0x10d: {  	[sflag:s14] =	ssyncset.done $0x0  }
0x10e: {  	s24 =	simm.s32 $0x8100;
	[sflag:s14] =	ssyncadd.s32 $0xFFFF8000  }
0x10f: {  	v4 =	vld [tilespmem:s24+$0x80]  }
0x110: {  	v5 =	vld [tilespmem:s24+$0x90]  }
0x111: {  	v6 =	vld [tilespmem:s24+$0xA0]  }
0x112: {  	v7 =	vld [tilespmem:s24+$0xB0];
	_ =	sdelay $0x1  }
0x113: {  	v8 =	vld [tilespmem:s24+$0xFFFFFF10];
	(xrf1) =	vsort.ascd.msk.f32 $0xffff, v4, v4  }
0x114: {  	v9 =	vld [tilespmem:s24+$0xFFFFFF20];
	(xrf1) =	vsort.dscd.msk.f32 $0xffff, v5, v5  }
0x115: {  	v4 =	vld [tilespmem:s24+$0xFFFFFF30];
	(xrf1) =	vsort.ascd.msk.f32 $0xffff, v6, v6  }
0x116: {  	(xrf1) =	vsort.dscd.msk.f32 $0xffff, v7, v7  }
0x117: {  	v5 =	vld [tilespmem:s24+$0xFFFFFF80]  }
0x118: {  	v6 =	vld [tilespmem:s24+$0xFFFFFF90];
	(xrf1) =	vsort.dscd.msk.f32 $0xffff, v8, v8  }
0x119: {  	v7 =	vld [tilespmem:s24+$0xFFFFFFA0];
	(xrf1) =	vsort.ascd.msk.f32 $0xffff, v9, v9  }
0x11a: {  	v8 =	vld [tilespmem:s24+$0xFFFFFFB0];
	(xrf1) =	vsort.dscd.msk.f32 $0xffff, v4, v4  }
0x11b: {  	v4 =	vld [tilespmem:s24+$0x0]  }
0x11c: {  	(xrf1) =	vsort.ascd.msk.f32 $0xffff, v5, v5;
	v5 =	vld [tilespmem:s24+$0x10]  }
0x11d: {  	(xrf1) =	vsort.dscd.msk.f32 $0xffff, v6, v6;
	v6 =	vld [tilespmem:s24+$0x20]  }
0x11e: {  	(xrf1) =	vsort.ascd.msk.f32 $0xffff, v7, v7;
	v7 =	vld [tilespmem:s24+$0x30]  }
0x11f: {  	(xrf1) =	vsort.dscd.msk.f32 $0xffff, v8, v8;
	v8 =	vld [tilespmem:s24+$0xFFFFFF00]  }
0x120: {  	(xrf1) =	vsort.ascd.msk.f32 $0xffff, v4, v4  }
0x121: {  	(xrf1) =	vsort.dscd.msk.f32 $0xffff, v5, v5;
	v4, _, _ =	vpop (xrf1)  }
0x122: {  	(xrf1) =	vsort.ascd.msk.f32 $0xffff, v6, v6;
	v5, _, _ =	vpop (xrf1)  }
0x123: {  	(xrf1) =	vsort.dscd.msk.f32 $0xffff, v7, v7;
	v6, _, _ =	vpop (xrf1)  }
0x124: {  	(xrf1) =	vsort.ascd.msk.f32 $0xffff, v8, v8;
	v7 =	vmin.f32 v4, v5;
	v4 =	vmax.f32 v4, v5;
	v8, _, _ =	vpop (xrf1)  }
0x125: {  	(xrf1) =	vsort.ascd.msk.f32 $0xffff, v7, v7;
	v7 =	vmax.f32 v6, v8  }
0x126: {  	v5, _, _ =	vpop (xrf1)  }
0x127: {  	(xrf1) =	vsort.ascd.msk.f32 $0xffff, v4, v4;
	v4, _, _ =	vpop (xrf1)  }
0x128: {  	v6 =	vmin.f32 v6, v8;
	(xrf1) =	vsort.dscd.msk.f32 $0xffff, v7, v7;
	v7, _, _ =	vpop (xrf1)  }
0x129: {  	(xrf1) =	vsort.dscd.msk.f32 $0xffff, v6, v6;
	v6 =	vmax.f32 v4, v7  }
0x12a: {  	v4 =	vmin.f32 v4, v7  }
0x12b: {  	v8, _, _ =	vpop (xrf1)  }
0x12c: {  	(xrf1) =	vsort.dscd.msk.f32 $0xffff, v6, v6;
	v6, _, _ =	vpop (xrf1)  }
0x12d: {  	(xrf1) =	vsort.dscd.msk.f32 $0xffff, v4, v4;
	v7 =	vmin.f32 v8, v6;
	v4, _, _ =	vpop (xrf1)  }
0x12e: {  	v6 =	vmax.f32 v8, v6;
	v8, _, _ =	vpop (xrf1);
	(xrf1) =	vsort.ascd.msk.f32 $0xffff, v7, v7  }
0x12f: {  	v7 =	vmax.f32 v4, v8;
	(xrf1) =	vsort.ascd.msk.f32 $0xffff, v6, v6;
	v4 =	vmin.f32 v4, v8  }
0x130: {  	(xrf1) =	vsort.dscd.msk.f32 $0xffff, v7, v7  }
0x131: {  	v6, _, _ =	vpop (xrf1);
	(xrf1) =	vsort.dscd.msk.f32 $0xffff, v4, v4  }
0x132: {  	v4, _, _ =	vpop (xrf1)  }
0x133: {  	v7, _, _ =	vpop (xrf1)  }
0x134: {  	v8, _, _ =	vpop (xrf1)  }
0x135: {  	v11 =	vmin.f32 v6, v4;
	v9, _, _ =	vpop (xrf1)  }
0x136: {  	v4 =	vmax.f32 v6, v4;
	(xrf1) =	vsort.ascd.msk.f32 $0xffff, v11, v11;
	v10, _, _ =	vpop (xrf1)  }
0x137: {  	v11 =	vmax.f32 v7, v8;
	(xrf1) =	vsort.ascd.msk.f32 $0xffff, v4, v4;
	v12, _, _ =	vpop (xrf1)  }
0x138: {  	v13 =	vmin.f32 v9, v5;
	(xrf1) =	vsort.dscd.msk.f32 $0xffff, v11, v11;
	v6, _, _ =	vpop (xrf1)  }
0x139: {  	v7 =	vmin.f32 v7, v8;
	v5 =	vmax.f32 v9, v5;
	(xrf1) =	vsort.ascd.msk.f32 $0xffff, v13, v13;
	v4, _, _ =	vpop (xrf1)  }
0x13a: {  	(xrf1) =	vsort.ascd.msk.f32 $0xffff, v5, v5;
	v5 =	vmin.f32 v10, v6;
	v11, _, _ =	vpop (xrf1);
	v9 =	vmin.f32 v12, v4  }
0x13b: {  	(xrf1) =	vsort.dscd.msk.f32 $0xffff, v7, v7;
	v8, _, _ =	vpop (xrf1);
	v7 =	vmin.f32 v5, v9  }
0x13c: {  	v5 =	vmax.f32 v5, v9;
	v13, _, _ =	vpop (xrf1)  }
0x13d: {  	v6 =	vmax.f32 v10, v6;
	v10, _, _ =	vpop (xrf1)  }
0x13e: {  	v4 =	vmax.f32 v12, v4;
	(xrf1) =	vsort.ascd.msk.f32 $0xffff, v7, v7;
	v7, _, _ =	vpop (xrf1)  }
0x13f: {  	v9 =	vmin.f32 v6, v4;
	v4 =	vmax.f32 v6, v4;
	(xrf1) =	vsort.ascd.msk.f32 $0xffff, v5, v5;
	v5, _, _ =	vpop (xrf1)  }
0x140: {  	s25 =	simm.s32 $0x8300;
	(xrf1) =	vsort.ascd.msk.f32 $0xffff, v9, v9;
	v6 =	vmin.f32 v13, v7;
	v9 =	vmin.f32 v10, v5  }
0x141: {  	v12 =	vld [tilespmem:s25+$0x80];
	(xrf1) =	vsort.ascd.msk.f32 $0xffff, v4, v4;
	v4 =	vmax.f32 v13, v7;
	v7 =	vmin.f32 v6, v9  }
0x142: {  	v5 =	vmax.f32 v10, v5;
	v6 =	vmax.f32 v6, v9;
	(xrf1) =	vsort.ascd.msk.f32 $0xffff, v7, v7;
	v7 =	vld [tilespmem:s25+$0x90]  }
0x143: {  	v9 =	vmin.f32 v4, v5;
	(xrf1) =	vsort.ascd.msk.f32 $0xffff, v6, v6;
	v6 =	vld [tilespmem:s25+$0xA0]  }
0x144: {  	v4 =	vmax.f32 v4, v5;
	v5 =	vld [tilespmem:s25+$0xB0];
	(xrf1) =	vsort.ascd.msk.f32 $0xffff, v9, v9  }
0x145: {  	(xrf1) =	vsort.ascd.msk.f32 $0xffff, v4, v4;
	v4 =	vld [tilespmem:s25+$0xFFFFFF10]  }
0x146: {  	v10 =	vld [tilespmem:s25+$0xFFFFFF20];
	v9, _, _ =	vpop (xrf1);
	(xrf1) =	vsort.ascd.msk.f32 $0xffff, v12, v12  }
0x147: {  	v13 =	vld [tilespmem:s25+$0xFFFFFF30];
	v12, _, _ =	vpop (xrf1);
	(xrf1) =	vsort.dscd.msk.f32 $0xffff, v7, v7  }
0x148: {  	v14 =	vld [tilespmem:s25+$0xFFFFFF80];
	v7, _, _ =	vpop (xrf1);
	(xrf1) =	vsort.ascd.msk.f32 $0xffff, v6, v6  }
0x149: {  	v15 =	vld [tilespmem:s25+$0xFFFFFF90];
	v6, _, _ =	vpop (xrf1);
	(xrf1) =	vsort.dscd.msk.f32 $0xffff, v5, v5  }
0x14a: {  	v16 =	vld [tilespmem:s25+$0xFFFFFFA0];
	v5, _, _ =	vpop (xrf1);
	(xrf1) =	vsort.dscd.msk.f32 $0xffff, v4, v4  }
0x14b: {  	v17 =	vld [tilespmem:s25+$0xFFFFFFB0];
	v4, _, _ =	vpop (xrf1);
	(xrf1) =	vsort.ascd.msk.f32 $0xffff, v10, v10  }
0x14c: {  	v18 =	vld [tilespmem:s25+$0x0];
	v10, _, _ =	vpop (xrf1);
	(xrf1) =	vsort.dscd.msk.f32 $0xffff, v13, v13  }
0x14d: {  	v19 =	vld [tilespmem:s25+$0x10];
	v13, _, _ =	vpop (xrf1);
	(xrf1) =	vsort.ascd.msk.f32 $0xffff, v14, v14  }
0x14e: {  	v20 =	vld [tilespmem:s25+$0x20];
	v14, _, _ =	vpop (xrf1);
	(xrf1) =	vsort.dscd.msk.f32 $0xffff, v15, v15  }
0x14f: {  	v21 =	vld [tilespmem:s25+$0x30];
	v15, _, _ =	vpop (xrf1);
	(xrf1) =	vsort.ascd.msk.f32 $0xffff, v16, v16  }
0x150: {  	v22 =	vld [tilespmem:s25+$0xFFFFFF00];
	v16, _, _ =	vpop (xrf1);
	(xrf1) =	vsort.dscd.msk.f32 $0xffff, v17, v17  }
0x151: {  	v17, _, _ =	vpop (xrf1);
	(xrf1) =	vsort.ascd.msk.f32 $0xffff, v18, v18  }
0x152: {  	v18, _, _ =	vpop (xrf1);
	(xrf1) =	vsort.dscd.msk.f32 $0xffff, v19, v19  }
0x153: {  	v19, _, _ =	vpop (xrf1);
	(xrf1) =	vsort.ascd.msk.f32 $0xffff, v20, v20  }
0x154: {  	(xrf1) =	vsort.dscd.msk.f32 $0xffff, v21, v21;
	v21, _, _ =	vpop (xrf1)  }
0x155: {  	(xrf1) =	vsort.ascd.msk.f32 $0xffff, v22, v22;
	v22, _, _ =	vpop (xrf1)  }
0x156: {  	v23 =	vmin.f32 v5, v8;
	v20 =	vmin.f32 v6, v11;
	v25 =	vmin.f32 v21, v22  }
0x157: {  	v24 =	vmin.f32 v20, v23;
	v26, _, _ =	vpop (xrf1)  }
0x158: {  	(xrf1) =	vsort.ascd.msk.f32 $0xffff, v24, v24;
	v21 =	vmax.f32 v21, v22;
	v22, _, _ =	vpop (xrf1)  }
0x159: {  	(xrf1) =	vsort.ascd.msk.f32 $0xffff, v25, v25;
	v25, _, _ =	vpop (xrf1)  }
0x15a: {  	v24 =	vmax.f32 v26, v22;
	(xrf1) =	vsort.ascd.msk.f32 $0xffff, v21, v21;
	v21 =	vmin.f32 v26, v22;
	v22, _, _ =	vpop (xrf1)  }
0x15b: {  	v20 =	vmax.f32 v20, v23;
	(xrf1) =	vsort.dscd.msk.f32 $0xffff, v24, v24;
	v23, _, _ =	vpop (xrf1)  }
0x15c: {  	v24 =	vmin.f32 v9, v7;
	v7 =	vmax.f32 v9, v7;
	v9 =	vmax.f32 v22, v23  }
0x15d: {  	v6 =	vmax.f32 v6, v11;
	(xrf1) =	vsort.dscd.msk.f32 $0xffff, v21, v21;
	v11 =	vmin.f32 v22, v23  }
0x15e: {  	v21, _, _ =	vpop (xrf1);
	(xrf1) =	vsort.ascd.msk.f32 $0xffff, v20, v20  }
0x15f: {  	(xrf1) =	vsort.dscd.msk.f32 $0xffff, v9, v9;
	v9, _, _ =	vpop (xrf1)  }
0x160: {  	(xrf1) =	vsort.dscd.msk.f32 $0xffff, v11, v11;
	v11, _, _ =	vpop (xrf1)  }
0x161: {  	v5 =	vmax.f32 v5, v8;
	v8 =	vmin.f32 v21, v9;
	v9 =	vmax.f32 v21, v9;
	v21, _, _ =	vpop (xrf1)  }
0x162: {  	s26 =	simm.s32 $0x180;
	v22 =	vmin.f32 v12, v4;
	v4 =	vmax.f32 v12, v4;
	v12 =	vmax.f32 v11, v21  }
0x163: {  	v20 =	vor.u32 s26, v0;
	(xrf1) =	vsort.ascd.msk.f32 $0xffff, v8, v8;
	v11 =	vmin.f32 v11, v21  }
0x164: {  	v8 =	vor.u32 s26, v1;
	(xrf1) =	vsort.ascd.msk.f32 $0xffff, v9, v9;
	v9, _, _ =	vpop (xrf1)  }
0x165: {  	v23 =	vor.u32 s26, v2;
	(xrf1) =	vsort.dscd.msk.f32 $0xffff, v12, v12;
	v12, _, _ =	vpop (xrf1)  }
0x166: {  	v26 =	vmin.f32 v6, v5;
	v5 =	vmax.f32 v6, v5;
	v6 =	vor.u32 s26, v3;
	(xrf1) =	vsort.dscd.msk.f32 $0xffff, v11, v11;
	v11, _, _ =	vpop (xrf1)  }
0x167: {  	v21 =	vmin.f32 v9, v12;
	v9 =	vmax.f32 v9, v12;
	v12, _, _ =	vpop (xrf1)  }
0x168: {  	s28 =	simm.s32 $0x80;
	[tilespmem:v20+s12+$0x0] =	vst.idx.msk vm0, v10;
	v20, _, _ =	vpop (xrf1)  }
0x169: {  	v27 =	vor.u32 s28, v0;
	[tilespmem:v8+s12+$0x0] =	vst.idx.msk vm2, v13;
	(xrf1) =	vsort.ascd.msk.f32 $0xffff, v21, v21;
	v8 =	vmin.f32 v20, v25  }
0x16a: {  	v21 =	vor.u32 s28, v1;
	[tilespmem:v23+s12+$0x0] =	vst.idx.msk vm1, v14;
	v10 =	vmax.f32 v11, v12;
	(xrf1) =	vsort.ascd.msk.f32 $0xffff, v9, v9  }
0x16b: {  	[tilespmem:v6+s12+$0x0] =	vst.idx.msk vm3, v15;
	v6 =	vmin.f32 v11, v12;
	(xrf1) =	vsort.dscd.msk.f32 $0xffff, v10, v10;
	v9, _, _ =	vpop (xrf1)  }
0x16c: {  	v10 =	vor.u32 s28, v2;
	v13 =	vmax.f32 v20, v25;
	(xrf1) =	vsort.ascd.msk.f32 $0xffff, v8, v8;
	v8, _, _ =	vpop (xrf1)  }
0x16d: {  	(xrf1) =	vsort.ascd.msk.f32 $0xffff, v13, v13;
	v11, _, _ =	vpop (xrf1)  }
0x16e: {  	[tilespmem:v27+s12+$0x0] =	vst.idx.msk vm0, v16;
	v28 =	vmin.f32 v24, v22;
	v14 =	vor.u32 s28, v3;
	(xrf1) =	vsort.dscd.msk.f32 $0xffff, v6, v6;
	v6, _, _ =	vpop (xrf1)  }
0x16f: {  	s29 =	simm.s32 $0x0;
	v12 =	vmax.f32 v24, v22;
	[tilespmem:v21+s12+$0x0] =	vst.idx.msk vm2, v17;
	v16, _, _ =	vpop (xrf1);
	(xrf1) =	vsort.ascd.msk.f32 $0xffff, v26, v26  }
0x170: {  	v13 =	vor.u32 s29, v0;
	v20 =	vmin.f32 v8, v6;
	v21 =	vmin.f32 v11, v16;
	(xrf1) =	vsort.ascd.msk.f32 $0xffff, v5, v5  }
0x171: {  	[tilespmem:v10+s12+$0x0] =	vst.idx.msk vm1, v18;
	v22, _, _ =	vpop (xrf1);
	v5 =	vmin.f32 v20, v21;
	(xrf1) =	vsort.ascd.msk.f32 $0xffff, v28, v28  }
0x172: {  	v10, _, _ =	vpop (xrf1);
	(xrf1) =	vsort.ascd.msk.f32 $0xffff, v5, v5;
	v5 =	vmax.f32 v8, v6;
	v6 =	vmax.f32 v11, v16  }
0x173: {  	[tilespmem:v14+s12+$0x0] =	vst.idx.msk vm3, v19;
	v14, _, _ =	vpop (xrf1);
	v8 =	vmin.f32 v5, v6  }
0x174: {  	v23 =	vmax.f32 v7, v4;
	v15 =	vmin.f32 v7, v4;
	v4 =	vmax.f32 v20, v21;
	v7, _, _ =	vpop (xrf1)  }
0x175: {  	[tilespmem:v13+s12+$0x0] =	vst.idx.msk vm0, v9;
	(xrf1) =	vsort.ascd.msk.f32 $0xffff, v4, v4;
	v9, _, _ =	vpop (xrf1)  }
0x176: {  	v17 =	vor.u32 s29, v1;
	v5 =	vmax.f32 v5, v6;
	(xrf1) =	vsort.ascd.msk.f32 $0xffff, v8, v8;
	v8, _, _ =	vpop (xrf1)  }
0x177: {  	(xrf1) =	vsort.ascd.msk.f32 $0xffff, v5, v5;
	v11 =	vmin.f32 v7, v8;
	v13 =	vmax.f32 v7, v8;
	v7, _, _ =	vpop (xrf1)  }
0x178: {  	(xrf1) =	vsort.ascd.msk.f32 $0xffff, v12, v12;
	v12 =	vmin.f32 v9, v7  }
0x179: {  	s31 =	simm.s32 $0x380;
	(xrf1) =	vsort.ascd.msk.f32 $0xffff, v15, v15;
	v15 =	vmin.f32 v11, v12  }
0x17a: {  	s30 =	simm.s32 $0x100;
	v27 =	vor.u32 s31, v2;
	v25 =	vor.u32 s31, v0;
	v26 =	vor.u32 s31, v1;
	v16, _, _ =	vpop (xrf1)  }
0x17b: {  	s19 =	simm.s32 $0x8500;
	[tilespmem:v17+s12+$0x0] =	vst.idx.msk vm2, v22;
	v4 =	vor.u32 s30, v0;
	v9 =	vmax.f32 v9, v7;
	v11 =	vmax.f32 v11, v12;
	v12, _, _ =	vpop (xrf1)  }
0x17c: {  	v19 =	vld [tilespmem:s19+$0x80];
	v6 =	vor.u32 s30, v1;
	v17 =	vmin.f32 v13, v9;
	v13 =	vmax.f32 v13, v9;
	(xrf1) =	vsort.ascd.msk.f32 $0xffff, v15, v15;
	v15, _, _ =	vpop (xrf1)  }
0x17d: {  	v28 =	vld [tilespmem:s19+$0x90];
	v5 =	vor.u32 s30, v2;
	v29 =	vmin.f32 v16, v15;
	v15 =	vmax.f32 v16, v15;
	v16, _, _ =	vpop (xrf1);
	(xrf1) =	vsort.ascd.msk.f32 $0xffff, v11, v11  }
0x17e: {  	v8 =	vor.u32 s29, v2;
	v11 =	vld [tilespmem:s19+$0xA0];
	v22 =	vmin.f32 v16, v10;
	v16 =	vmax.f32 v16, v10;
	v18, _, _ =	vpop (xrf1);
	(xrf1) =	vsort.ascd.msk.f32 $0xffff, v17, v17  }
0x17f: {  	v20 =	vld [tilespmem:s19+$0xB0];
	v7 =	vor.u32 s30, v3;
	v17 =	vmin.f32 v18, v14;
	v14 =	vmax.f32 v18, v14;
	(xrf1) =	vsort.ascd.msk.f32 $0xffff, v13, v13;
	v13, _, _ =	vpop (xrf1)  }
0x180: {  	s20 =	simm.s32 $0x200;
	v30 =	vld [tilespmem:s19+$0xFFFFFF10];
	v9 =	vor.u32 s29, v3;
	v63 =	vmin.f32 v12, v13;
	v18 =	vmax.f32 v12, v13;
	v21, _, _ =	vpop (xrf1);
	(xrf1) =	vsort.ascd.msk.f32 $0xffff, v23, v23  }
0x181: {  	v31 =	vld [tilespmem:s19+$0xFFFFFF20];
	v10 =	vor.u32 s20, v0;
	v24 =	vmin.f32 v22, v17;
	(xrf1) =	vsort.ascd.msk.f32 $0xffff, v19, v19;
	v19 =	vmax.f32 v22, v17;
	v22, _, _ =	vpop (xrf1)  }
0x182: {  	s23 =	simm.s32 $0x280;
	v32 =	vld [tilespmem:s19+$0xFFFFFF30];
	v13 =	vmin.f32 v16, v14;
	v12 =	vmax.f32 v16, v14;
	(xrf1) =	vsort.dscd.msk.f32 $0xffff, v28, v28;
	v28 =	vor.u32 s31, v3;
	v16, _, _ =	vpop (xrf1)  }
0x183: {  	s21 =	simm.s32 $0x300;
	s22 =	simm.s32 $0xC;
	s18 =	simm.s32 $0x8;
	v33 =	vld [tilespmem:s19+$0xFFFFFF80];
	v23 =	vor.u32 s23, v0;
	v14 =	vmin.f32 v29, v63;
	(xrf1) =	vsort.ascd.msk.f32 $0xffff, v11, v11;
	v11 =	vmax.f32 v29, v63;
	v29, _, _ =	vpop (xrf1)  }
.LBB2_5:
0x184: {  	p1 =	slt.u32 s22, $0xFC;
	v34 =	vld [tilespmem:s19+$0xFFFFFF90];
	(xrf1) =	vsort.dscd.msk.f32 $0xffff, v20, v20;
	v35 =	vor.u32 s23, v1;
	v20 =	vmin.f32 v15, v18;
	[tilespmem:v25+s12+$0x0] =	vst.idx.msk vm0, v29;
	v25, _, _ =	vpop (xrf1)  }
0x185: {  	v17 =	vmax.f32 v15, v18;
	v29 =	vld [tilespmem:s19+$0xFFFFFFA0];
	(xrf1) =	vsort.dscd.msk.f32 $0xffff, v30, v30;
	v30 =	vor.u32 s23, v2;
	[tilespmem:v26+s12+$0x0] =	vst.idx.msk vm2, v25;
	v15, _, _ =	vpop (xrf1)  }
0x186: {  	v25 =	vor.u32 s23, v3;
	v26 =	vor.u32 s21, v0;
	v18 =	vld [tilespmem:s19+$0xFFFFFFB0];
	(xrf1) =	vsort.ascd.msk.f32 $0xffff, v31, v31;
	[tilespmem:v27+s12+$0x0] =	vst.idx.msk vm1, v15;
	v15, _, _ =	vpop (xrf1)  }
0x187: {  	v31 =	vor.u32 s21, v1;
	v27 =	vld [tilespmem:s19+$0x0];
	(xrf1) =	vsort.dscd.msk.f32 $0xffff, v32, v32;
	v32 =	vor.u32 s21, v2;
	[tilespmem:v28+s12+$0x0] =	vst.idx.msk vm3, v15;
	v28, _, _ =	vpop (xrf1)  }
0x188: {  	v37 =	vor.u32 s21, v3;
	v15 =	vor.u32 s20, v1;
	v36 =	vld [tilespmem:s19+$0x10];
	(xrf1) =	vsort.ascd.msk.f32 $0xffff, v33, v33;
	v33 =	vor.u32 s20, v2;
	v38, _, _ =	vpop (xrf1)  }
0x189: {  	v39 =	vld [tilespmem:s19+$0x20];
	(xrf1) =	vsort.dscd.msk.f32 $0xffff, v34, v34;
	v34 =	vor.u32 s20, v3;
	[tilespmem:v8+s12+$0x0] =	vst.idx.msk vm1, v21;
	v8 =	vmov v33  }
0x18a: {  	v21 =	vld [tilespmem:s19+$0x30];
	(xrf1) =	vsort.ascd.msk.f32 $0xffff, v29, v29;
	v29, _, _ =	vpop (xrf1);
	[tilespmem:v9+s12+$0x0] =	vst.idx.msk vm3, v22;
	v9 =	vmov v34  }
0x18b: {  	v22 =	vld [tilespmem:s19+$0xFFFFFF00];
	(xrf1) =	vsort.dscd.msk.f32 $0xffff, v18, v18;
	[tilespmem:v23+s12+$0x0] =	vst.idx.msk vm0, v29;
	v18, _, _ =	vpop (xrf1)  }
0x18c: {  	(xrf1) =	vsort.ascd.msk.f32 $0xffff, v27, v27;
	[tilespmem:v35+s12+$0x0] =	vst.idx.msk vm2, v18;
	v18, _, _ =	vpop (xrf1)  }
0x18d: {  	(xrf1) =	vsort.dscd.msk.f32 $0xffff, v36, v36;
	[tilespmem:v30+s12+$0x0] =	vst.idx.msk vm1, v18;
	v18, _, _ =	vpop (xrf1)  }
0x18e: {  	(xrf1) =	vsort.ascd.msk.f32 $0xffff, v39, v39;
	[tilespmem:v25+s12+$0x0] =	vst.idx.msk vm3, v18;
	v18, _, _ =	vpop (xrf1)  }
0x18f: {  	(xrf1) =	vsort.dscd.msk.f32 $0xffff, v21, v21;
	v21, _, _ =	vpop (xrf1);
	[tilespmem:v4+s12+$0x0] =	vst.idx.msk vm0, v16;
	v4 =	vmov v26  }
0x190: {  	(xrf1) =	vsort.ascd.msk.f32 $0xffff, v22, v22;
	v16, _, _ =	vpop (xrf1);
	[tilespmem:v6+s12+$0x0] =	vst.idx.msk vm2, v28;
	v6 =	vmov v31  }
0x191: {  	v25 =	vmin.f32 v21, v16;
	v23, _, _ =	vpop (xrf1);
	(xrf1) =	vsort.ascd.msk.f32 $0xffff, v24, v24;
	[tilespmem:v5+s12+$0x0] =	vst.idx.msk vm1, v38;
	v5 =	vmov v32  }
0x192: {  	v16 =	vmax.f32 v21, v16;
	v21, _, _ =	vpop (xrf1);
	(xrf1) =	vsort.ascd.msk.f32 $0xffff, v25, v25;
	[tilespmem:v7+s12+$0x0] =	vst.idx.msk vm3, v18;
	v7 =	vmov v37  }
0x193: {  	v24 =	vmax.f32 v23, v21;
	v22, _, _ =	vpop (xrf1);
	(xrf1) =	vsort.ascd.msk.f32 $0xffff, v16, v16  }
0x194: {  	v16 =	vmin.f32 v23, v21;
	v21, _, _ =	vpop (xrf1);
	(xrf1) =	vsort.dscd.msk.f32 $0xffff, v24, v24  }
0x195: {  	v18, _, _ =	vpop (xrf1);
	(xrf1) =	vsort.dscd.msk.f32 $0xffff, v16, v16  }
0x196: {  	v24 =	vmin.f32 v21, v18;
	v23 =	vmax.f32 v21, v18;
	v21, _, _ =	vpop (xrf1);
	(xrf1) =	vsort.ascd.msk.f32 $0xffff, v19, v19  }
0x197: {  	(xrf1) =	vsort.dscd.msk.f32 $0xffff, v23, v23;
	v18, _, _ =	vpop (xrf1)  }
0x198: {  	v19 =	vmin.f32 v21, v18;
	v23 =	vmax.f32 v21, v18;
	(xrf1) =	vsort.dscd.msk.f32 $0xffff, v24, v24;
	v16, _, _ =	vpop (xrf1)  }
0x199: {  	v21, _, _ =	vpop (xrf1);
	(xrf1) =	vsort.ascd.msk.f32 $0xffff, v19, v19  }
0x19a: {  	v19 =	vmin.f32 v16, v21;
	v21 =	vmax.f32 v16, v21;
	(xrf1) =	vsort.ascd.msk.f32 $0xffff, v23, v23;
	v18, _, _ =	vpop (xrf1)  }
0x19b: {  	(xrf1) =	vsort.dscd.msk.f32 $0xffff, v21, v21;
	v16, _, _ =	vpop (xrf1)  }
0x19c: {  	v21 =	vmin.f32 v18, v16;
	v16 =	vmax.f32 v18, v16;
	(xrf1) =	vsort.dscd.msk.f32 $0xffff, v19, v19;
	v18, _, _ =	vpop (xrf1)  }
0x19d: {  	v19, _, _ =	vpop (xrf1);
	(xrf1) =	vsort.ascd.msk.f32 $0xffff, v21, v21  }
0x19e: {  	v21 =	vmin.f32 v18, v19;
	v23 =	vmax.f32 v18, v19;
	v19, _, _ =	vpop (xrf1);
	(xrf1) =	vsort.ascd.msk.f32 $0xffff, v16, v16  }
0x19f: {  	v24 =	vmin.f32 v19, v22;
	v19 =	vmax.f32 v19, v22;
	(xrf1) =	vsort.dscd.msk.f32 $0xffff, v23, v23;
	v18, _, _ =	vpop (xrf1)  }
0x1a0: {  	(xrf1) =	vsort.ascd.msk.f32 $0xffff, v24, v24;
	v16, _, _ =	vpop (xrf1);
	[tilespmem:v10+s12+$0x0] =	vst.idx.msk vm0, v18  }
0x1a1: {  	(xrf1) =	vsort.ascd.msk.f32 $0xffff, v19, v19;
	v10, _, _ =	vpop (xrf1)  }
0x1a2: {  	(xrf1) =	vsort.dscd.msk.f32 $0xffff, v21, v21;
	v18, _, _ =	vpop (xrf1)  }
0x1a3: {  	v19, _, _ =	vpop (xrf1);
	(xrf1) =	vsort.ascd.msk.f32 $0xffff, v13, v13  }
0x1a4: {  	v13 =	vmin.f32 v16, v18;
	v21 =	vmin.f32 v10, v19;
	v22, _, _ =	vpop (xrf1);
	(xrf1) =	vsort.ascd.msk.f32 $0xffff, v12, v12  }
0x1a5: {  	v12 =	vmax.f32 v16, v18;
	v16 =	vmin.f32 v13, v21;
	v18, _, _ =	vpop (xrf1);
	(xrf1) =	vsort.ascd.msk.f32 $0xffff, v14, v14  }
0x1a6: {  	v10 =	vmax.f32 v10, v19;
	v13 =	vmax.f32 v13, v21;
	v14, _, _ =	vpop (xrf1);
	(xrf1) =	vsort.ascd.msk.f32 $0xffff, v16, v16  }
0x1a7: {  	v16 =	vmin.f32 v12, v10;
	v19, _, _ =	vpop (xrf1);
	(xrf1) =	vsort.ascd.msk.f32 $0xffff, v13, v13;
	[tilespmem:v15+s12+$0x0] =	vst.idx.msk vm2, v22  }
0x1a8: {  	v10 =	vmax.f32 v12, v10;
	v12, _, _ =	vpop (xrf1);
	(xrf1) =	vsort.ascd.msk.f32 $0xffff, v16, v16  }
0x1a9: {  	v13, _, _ =	vpop (xrf1);
	(xrf1) =	vsort.ascd.msk.f32 $0xffff, v10, v10  }
0x1aa: {  	v10 =	vmin.f32 v19, v13;
	v13 =	vmax.f32 v19, v13;
	v15, _, _ =	vpop (xrf1);
	(xrf1) =	vsort.ascd.msk.f32 $0xffff, v11, v11  }
0x1ab: {  	v11 =	vmin.f32 v12, v15;
	v12 =	vmax.f32 v12, v15;
	v15, _, _ =	vpop (xrf1);
	(xrf1) =	vsort.ascd.msk.f32 $0xffff, v20, v20  }
0x1ac: {  	s19 =	sadd.s32 $0x200, s19;
	v16 =	vmin.f32 v10, v11;
	v10 =	vmax.f32 v10, v11;
	v11 =	vmin.f32 v13, v12;
	v19, _, _ =	vpop (xrf1)  }
0x1ad: {  	v12 =	vmax.f32 v13, v12;
	v22 =	vld [tilespmem:s19+$0x80];
	(xrf1) =	vsort.ascd.msk.f32 $0xffff, v16, v16;
	v13, _, _ =	vpop (xrf1)  }
0x1ae: {  	s20 =	sshll.u32 s18, $0x7;
	s18 =	smov.u32 s22;
	v16 =	vld [tilespmem:s19+$0x90];
	v29 =	vmin.f32 v15, v13;
	v15 =	vmax.f32 v15, v13;
	v13, _, _ =	vpop (xrf1);
	(xrf1) =	vsort.ascd.msk.f32 $0xffff, v10, v10  }
0x1af: {  	s23 =	sadd.s32 $0x80, s20;
	s21 =	sadd.s32 $0x100, s20;
	s24 =	sadd.s32 $0x180, s20;
	v10 =	vor.u32 s20, v0;
	v23 =	vld [tilespmem:s19+$0xA0];
	v27 =	vmin.f32 v13, v18;
	v28 =	vmax.f32 v13, v18;
	v13, _, _ =	vpop (xrf1);
	(xrf1) =	vsort.ascd.msk.f32 $0xffff, v11, v11  }
.Ltmp3:
0x1b0: {  	v25 =	vor.u32 s24, v0;
	v20 =	vld [tilespmem:s19+$0xB0];
	v11 =	vmin.f32 v13, v14;
	v14 =	vmax.f32 v13, v14;
	(xrf1) =	vsort.ascd.msk.f32 $0xffff, v12, v12;
	v12, _, _ =	vpop (xrf1);
	(pc) =	sbr.rel @p1 .LBB2_5-.Ltmp3, $4  }
0x1b1: {  	v26 =	vor.u32 s24, v1;
	v30 =	vld [tilespmem:s19+$0xFFFFFF10];
	v34 =	vmin.f32 v19, v12;
	v18 =	vmax.f32 v19, v12;
	v21, _, _ =	vpop (xrf1);
	(xrf1) =	vsort.ascd.msk.f32 $0xffff, v17, v17  }
0x1b2: {  	v24 =	vmin.f32 v27, v11;
	v19 =	vmax.f32 v27, v11;
	v27 =	vor.u32 s24, v2;
	v31 =	vld [tilespmem:s19+$0xFFFFFF20];
	(xrf1) =	vsort.ascd.msk.f32 $0xffff, v22, v22;
	v22, _, _ =	vpop (xrf1)  }
0x1b3: {  	v13 =	vmin.f32 v28, v14;
	v12 =	vmax.f32 v28, v14;
	v28 =	vor.u32 s24, v3;
	v32 =	vld [tilespmem:s19+$0xFFFFFF30];
	(xrf1) =	vsort.dscd.msk.f32 $0xffff, v16, v16;
	v16, _, _ =	vpop (xrf1)  }
0x1b4: {  	s22 =	sadd.s32 $0x4, s22;
	v14 =	vmin.f32 v29, v34;
	v11 =	vmax.f32 v29, v34;
	v33 =	vld [tilespmem:s19+$0xFFFFFF80];
	(xrf1) =	vsort.ascd.msk.f32 $0xffff, v23, v23;
	v23 =	vor.u32 s23, v0;
	v29, _, _ =	vpop (xrf1)  }
0x1b5: {  	v34 =	vld [tilespmem:s19+$0xFFFFFF90];
	(xrf1) =	vsort.dscd.msk.f32 $0xffff, v20, v20  }
0x1b6: {  	v20, _, _ =	vpop (xrf1);
	v35 =	vld [tilespmem:s19+$0xFFFFFFA0];
	(xrf1) =	vsort.dscd.msk.f32 $0xffff, v30, v30  }
0x1b7: {  	v36 =	vld [tilespmem:s19+$0xFFFFFFB0];
	v30, _, _ =	vpop (xrf1);
	(xrf1) =	vsort.ascd.msk.f32 $0xffff, v31, v31  }
0x1b8: {  	v37 =	vld [tilespmem:s19+$0x0];
	v31, _, _ =	vpop (xrf1);
	(xrf1) =	vsort.dscd.msk.f32 $0xffff, v32, v32  }
0x1b9: {  	v38 =	vld [tilespmem:s19+$0x10];
	v32, _, _ =	vpop (xrf1);
	(xrf1) =	vsort.ascd.msk.f32 $0xffff, v33, v33  }
0x1ba: {  	v56 =	vld [tilespmem:s19+$0x20];
	v17, _, _ =	vpop (xrf1);
	(xrf1) =	vsort.dscd.msk.f32 $0xffff, v34, v34  }
0x1bb: {  	v57 =	vld [tilespmem:s19+$0x30];
	(xrf1) =	vsort.ascd.msk.f32 $0xffff, v35, v35;
	v35, _, _ =	vpop (xrf1)  }
0x1bc: {  	v39 =	vld [tilespmem:s19+$0xFFFFFF00];
	(xrf1) =	vsort.dscd.msk.f32 $0xffff, v36, v36;
	v36, _, _ =	vpop (xrf1)  }
0x1bd: {  	(xrf1) =	vsort.ascd.msk.f32 $0xffff, v37, v37;
	v37, _, _ =	vpop (xrf1)  }
0x1be: {  	(xrf1) =	vsort.dscd.msk.f32 $0xffff, v38, v38;
	v38, _, _ =	vpop (xrf1)  }
0x1bf: {  	(xrf1) =	vsort.ascd.msk.f32 $0xffff, v56, v56;
	v33, _, _ =	vpop (xrf1)  }
0x1c0: {  	(xrf1) =	vsort.dscd.msk.f32 $0xffff, v57, v57;
	v58, _, _ =	vpop (xrf1)  }
0x1c1: {  	(xrf1) =	vsort.ascd.msk.f32 $0xffff, v39, v39;
	v59, _, _ =	vpop (xrf1)  }
0x1c2: {  	v40 =	vmin.f32 v58, v59;
	v41, _, _ =	vpop (xrf1);
	(xrf1) =	vsort.ascd.msk.f32 $0xffff, v24, v24  }
0x1c3: {  	v60 =	vmax.f32 v58, v59;
	v61, _, _ =	vpop (xrf1);
	(xrf1) =	vsort.ascd.msk.f32 $0xffff, v40, v40  }
0x1c4: {  	v62 =	vmax.f32 v41, v61;
	v63, _, _ =	vpop (xrf1);
	(xrf1) =	vsort.ascd.msk.f32 $0xffff, v60, v60  }
0x1c5: {  	v43 =	vmin.f32 v41, v61;
	v44, _, _ =	vpop (xrf1);
	(xrf1) =	vsort.dscd.msk.f32 $0xffff, v62, v62  }
0x1c6: {  	v45, _, _ =	vpop (xrf1);
	(xrf1) =	vsort.dscd.msk.f32 $0xffff, v43, v43  }
0x1c7: {  	v46 =	vmax.f32 v44, v45;
	v47, _, _ =	vpop (xrf1);
	(xrf1) =	vsort.ascd.msk.f32 $0xffff, v19, v19  }
0x1c8: {  	v48 =	vmin.f32 v44, v45;
	(xrf1) =	vsort.dscd.msk.f32 $0xffff, v46, v46;
	v49, _, _ =	vpop (xrf1)  }
0x1c9: {  	v50 =	vmin.f32 v47, v49;
	(xrf1) =	vsort.dscd.msk.f32 $0xffff, v48, v48;
	v51, _, _ =	vpop (xrf1)  }
0x1ca: {  	v24 =	vmax.f32 v47, v49;
	v52, _, _ =	vpop (xrf1);
	(xrf1) =	vsort.ascd.msk.f32 $0xffff, v50, v50  }
0x1cb: {  	v53 =	vmax.f32 v51, v52;
	(xrf1) =	vsort.ascd.msk.f32 $0xffff, v24, v24;
	v54, _, _ =	vpop (xrf1)  }
0x1cc: {  	v19 =	vmin.f32 v51, v52;
	(xrf1) =	vsort.dscd.msk.f32 $0xffff, v53, v53;
	v55, _, _ =	vpop (xrf1)  }
0x1cd: {  	[tilespmem:v25+s12+$0x0] =	vst.idx.msk vm0, v29;
	(xrf1) =	vsort.dscd.msk.f32 $0xffff, v19, v19;
	v56, _, _ =	vpop (xrf1);
	v24 =	vmax.f32 v54, v55  }
0x1ce: {  	[tilespmem:v8+s12+$0x0] =	vst.idx.msk vm1, v21;
	v57 =	vmin.f32 v54, v55;
	v58, _, _ =	vpop (xrf1)  }
0x1cf: {  	[tilespmem:v4+s12+$0x0] =	vst.idx.msk vm0, v16;
	(xrf1) =	vsort.ascd.msk.f32 $0xffff, v57, v57;
	v59, _, _ =	vpop (xrf1)  }
0x1d0: {  	[tilespmem:v26+s12+$0x0] =	vst.idx.msk vm2, v20;
	v60 =	vmax.f32 v56, v58;
	(xrf1) =	vsort.ascd.msk.f32 $0xffff, v24, v24;
	v24, _, _ =	vpop (xrf1)  }
0x1d1: {  	[tilespmem:v9+s12+$0x0] =	vst.idx.msk vm3, v22;
	v61 =	vmin.f32 v59, v63;
	(xrf1) =	vsort.dscd.msk.f32 $0xffff, v60, v60;
	v62, _, _ =	vpop (xrf1)  }
0x1d2: {  	[tilespmem:v27+s12+$0x0] =	vst.idx.msk vm1, v30;
	v25 =	vmax.f32 v59, v63;
	(xrf1) =	vsort.ascd.msk.f32 $0xffff, v61, v61;
	v63, _, _ =	vpop (xrf1)  }
0x1d3: {  	[tilespmem:v28+s12+$0x0] =	vst.idx.msk vm3, v31;
	v28 =	vmin.f32 v56, v58;
	(xrf1) =	vsort.ascd.msk.f32 $0xffff, v25, v25;
	v29, _, _ =	vpop (xrf1)  }
0x1d4: {  	[tilespmem:v6+s12+$0x0] =	vst.idx.msk vm2, v32;
	(xrf1) =	vsort.dscd.msk.f32 $0xffff, v28, v28;
	v31, _, _ =	vpop (xrf1)  }
0x1d5: {  	v30 =	vor.u32 s23, v1;
	[tilespmem:v23+s12+$0x0] =	vst.idx.msk vm0, v35;
	(xrf1) =	vsort.ascd.msk.f32 $0xffff, v13, v13;
	v35, _, _ =	vpop (xrf1)  }
0x1d6: {  	v34 =	vor.u32 s23, v2;
	v40 =	vmin.f32 v62, v29;
	v41 =	vmin.f32 v63, v31;
	(xrf1) =	vsort.ascd.msk.f32 $0xffff, v12, v12;
	v42, _, _ =	vpop (xrf1)  }
0x1d7: {  	v19 =	vmax.f32 v62, v29;
	v43 =	vmin.f32 v40, v41;
	(xrf1) =	vsort.ascd.msk.f32 $0xffff, v14, v14;
	v44, _, _ =	vpop (xrf1)  }
0x1d8: {  	v8 =	vmax.f32 v63, v31;
	v23 =	vmax.f32 v40, v41;
	(xrf1) =	vsort.ascd.msk.f32 $0xffff, v43, v43;
	v45, _, _ =	vpop (xrf1)  }
0x1d9: {  	[tilespmem:v5+s12+$0x0] =	vst.idx.msk vm1, v17;
	v46 =	vmin.f32 v19, v8;
	(xrf1) =	vsort.ascd.msk.f32 $0xffff, v23, v23;
	v47, _, _ =	vpop (xrf1)  }
0x1da: {  	[tilespmem:v30+s12+$0x0] =	vst.idx.msk vm2, v36;
	v8 =	vmax.f32 v19, v8;
	(xrf1) =	vsort.ascd.msk.f32 $0xffff, v46, v46;
	v48, _, _ =	vpop (xrf1)  }
0x1db: {  	[tilespmem:v34+s12+$0x0] =	vst.idx.msk vm1, v37;
	v39 =	vor.u32 s23, v3;
	v49 =	vmin.f32 v15, v18;
	(xrf1) =	vsort.ascd.msk.f32 $0xffff, v8, v8;
	v50, _, _ =	vpop (xrf1)  }
0x1dc: {  	v51 =	vmin.f32 v45, v48;
	(xrf1) =	vsort.ascd.msk.f32 $0xffff, v11, v11;
	v52 =	vmin.f32 v47, v50  }
0x1dd: {  	v56 =	vor.u32 s20, v1;
	v9 =	vmax.f32 v45, v48;
	v53, _, _ =	vpop (xrf1);
	(xrf1) =	vsort.ascd.msk.f32 $0xffff, v49, v49;
	v54 =	vmin.f32 v51, v52  }
0x1de: {  	v8 =	vmax.f32 v47, v50;
	v11 =	vmax.f32 v51, v52;
	v55, _, _ =	vpop (xrf1);
	(xrf1) =	vsort.ascd.msk.f32 $0xffff, v54, v54  }
0x1df: {  	s18 =	sshll.u32 s18, $0x7;
	[tilespmem:v7+s12+$0x0] =	vst.idx.msk vm3, v33;
	v4 =	vmin.f32 v9, v8;
	v57, _, _ =	vpop (xrf1);
	(xrf1) =	vsort.ascd.msk.f32 $0xffff, v11, v11  }
0x1e0: {  	s28 =	sadd.s32 $0x180, s18;
	[tilespmem:v39+s12+$0x0] =	vst.idx.msk vm3, v38;
	v59, _, _ =	vpop (xrf1);
	(xrf1) =	vsort.ascd.msk.f32 $0xffff, v4, v4  }
0x1e1: {  	v33 =	vor.u32 s20, v2;
	[tilespmem:v10+s12+$0x0] =	vst.idx.msk vm0, v24;
	v25 =	vor.u32 s28, v1;
	v58 =	vmax.f32 v9, v8;
	v5, _, _ =	vpop (xrf1)  }
0x1e2: {  	v62 =	vor.u32 s28, v0;
	[tilespmem:v56+s12+$0x0] =	vst.idx.msk vm2, v35;
	v60 =	vmin.f32 v53, v57;
	(xrf1) =	vsort.ascd.msk.f32 $0xffff, v58, v58;
	v63, _, _ =	vpop (xrf1)  }
0x1e3: {  	v61 =	vmax.f32 v53, v57;
	v4 =	vmax.f32 v15, v18;
	v24 =	vmin.f32 v59, v42;
	v26, _, _ =	vpop (xrf1)  }
0x1e4: {  	v8 =	vmax.f32 v59, v42;
	v27 =	vmin.f32 v5, v44;
	v5 =	vmax.f32 v5, v44;
	v29, _, _ =	vpop (xrf1)  }
0x1e5: {  	v28 =	vor.u32 s28, v2;
	v30 =	vmin.f32 v55, v63;
	(xrf1) =	vsort.ascd.msk.f32 $0xffff, v4, v4;
	v4 =	vmin.f32 v24, v27;
	v32, _, _ =	vpop (xrf1)  }
0x1e6: {  	v11 =	vmax.f32 v55, v63;
	v10 =	vmax.f32 v24, v27;
	(xrf1) =	vsort.ascd.msk.f32 $0xffff, v4, v4;
	v4 =	vor.u32 s20, v3;
	v34, _, _ =	vpop (xrf1)  }
0x1e7: {  	s29 =	sadd.s32 $0x80, s18;
	v31 =	vor.u32 s28, v3;
	v35 =	vmin.f32 v8, v5;
	[tilespmem:v33+s12+$0x0] =	vst.idx.msk vm1, v26;
	(xrf1) =	vsort.ascd.msk.f32 $0xffff, v10, v10;
	v36, _, _ =	vpop (xrf1)  }
0x1e8: {  	v37 =	vor.u32 s29, v0;
	v5 =	vmax.f32 v8, v5;
	(xrf1) =	vsort.ascd.msk.f32 $0xffff, v35, v35;
	[tilespmem:v62+s12+$0x0] =	vst.idx.msk vm0, v34;
	v38, _, _ =	vpop (xrf1)  }
0x1e9: {  	v40 =	vor.u32 s29, v1;
	v39 =	vmin.f32 v60, v30;
	[tilespmem:v25+s12+$0x0] =	vst.idx.msk vm2, v36;
	v41, _, _ =	vpop (xrf1);
	(xrf1) =	vsort.ascd.msk.f32 $0xffff, v5, v5  }
0x1ea: {  	v42 =	vor.u32 s29, v2;
	[tilespmem:v28+s12+$0x0] =	vst.idx.msk vm1, v38;
	v5 =	vmax.f32 v60, v30;
	v43, _, _ =	vpop (xrf1);
	(xrf1) =	vsort.ascd.msk.f32 $0xffff, v39, v39  }
0x1eb: {  	v44 =	vmin.f32 v61, v11;
	[tilespmem:v4+s12+$0x0] =	vst.idx.msk vm3, v29;
	v46, _, _ =	vpop (xrf1);
	(xrf1) =	vsort.ascd.msk.f32 $0xffff, v5, v5;
	v5 =	vor.u32 s21, v0  }
0x1ec: {  	v45 =	vor.u32 s29, v3;
	v7 =	vmax.f32 v61, v11;
	[tilespmem:v31+s12+$0x0] =	vst.idx.msk vm3, v41;
	v47, _, _ =	vpop (xrf1);
	(xrf1) =	vsort.ascd.msk.f32 $0xffff, v44, v44  }
0x1ed: {  	v4 =	vor.u32 s21, v1;
	[tilespmem:v37+s12+$0x0] =	vst.idx.msk vm0, v47;
	v48, _, _ =	vpop (xrf1);
	(xrf1) =	vsort.ascd.msk.f32 $0xffff, v7, v7  }
0x1ee: {  	v49 =	vor.u32 s21, v2;
	[tilespmem:v40+s12+$0x0] =	vst.idx.msk vm2, v48;
	v50, _, _ =	vpop (xrf1)  }
0x1ef: {  	v51 =	vor.u32 s21, v3;
	[tilespmem:v42+s12+$0x0] =	vst.idx.msk vm1, v50  }
0x1f0: {  	v53 =	vor.u32 s18, v0;
	v52, _, _ =	vpop (xrf1);
	[tilespmem:v5+s12+$0x0] =	vst.idx.msk vm0, v32  }
0x1f1: {  	v54 =	vor.u32 s18, v1;
	[tilespmem:v45+s12+$0x0] =	vst.idx.msk vm3, v52  }
0x1f2: {  	v5 =	vor.u32 s18, v2;
	[tilespmem:v4+s12+$0x0] =	vst.idx.msk vm2, v43  }
0x1f3: {  	s30 =	sadd.s32 $0x100, s18;
	v4 =	vor.u32 s18, v3;
	v55, _, _ =	vpop (xrf1);
	[tilespmem:v49+s12+$0x0] =	vst.idx.msk vm1, v46  }
0x1f4: {  	v56 =	vor.u32 s30, v0;
	v57, _, _ =	vpop (xrf1);
	[tilespmem:v51+s12+$0x0] =	vst.idx.msk vm3, v55  }
0x1f5: {  	v58 =	vor.u32 s30, v1;
	[tilespmem:v53+s12+$0x0] =	vst.idx.msk vm0, v57;
	v59, _, _ =	vpop (xrf1)  }
0x1f6: {  	v60 =	vor.u32 s30, v2;
	[tilespmem:v54+s12+$0x0] =	vst.idx.msk vm2, v59;
	v61, _, _ =	vpop (xrf1)  }
0x1f7: {  	v62 =	vor.u32 s30, v3;
	[tilespmem:v5+s12+$0x0] =	vst.idx.msk vm1, v61;
	v63, _, _ =	vpop (xrf1)  }
0x1f8: {  	v5, _, _ =	vpop (xrf1);
	[tilespmem:v4+s12+$0x0] =	vst.idx.msk vm3, v63  }
0x1f9: {  	v4, _, _ =	vpop (xrf1);
	[tilespmem:v56+s12+$0x0] =	vst.idx.msk vm0, v5  }
0x1fa: {  	[tilespmem:v58+s12+$0x0] =	vst.idx.msk vm2, v4;
	v5, _, _ =	vpop (xrf1)  }
0x1fb: {  	v4, _, _ =	vpop (xrf1);
	[tilespmem:v60+s12+$0x0] =	vst.idx.msk vm1, v5  }
.Ltmp4:
0x1fc: {  	s31 =	sadd.s32 s9, s17;
	[tilespmem:v62+s12+$0x0] =	vst.idx.msk vm3, v4;
	(pc) =	sbr.rel @p0 .LBB2_8-.Ltmp4, $4  }
0x1fd: {  	[hbm4b:s31+s2] =	stream.linear.scatter [tilespmem:s12], [sflag:$0x3], $0x8000, $0x38;
	[tilespmem:$0x18000] =	vst v63  }
0x1fe: {  	_ =	swait.ge [sflag:s13], $0x8000  }
0x1ff: {  	[sflag:s13] =	ssyncset.done $0x0  }
0x200: {  	[sflag:s13] =	ssyncadd.s32 $0xFFFF8000  }
.Ltmp5:
0x201: {  	(pc) =	sbr.rel .LBB2_2-.Ltmp5, $3  }
0x202: {  	_ =	sdelay $0x1  }
0x203: {  	s17 =	sadd.s32 s17, s7;
	s16 =	sadd.s32 $0x1, s16  }
0x204: {  	[tilespmem:s10], [sflag:$0x2] =	stream.linear.gather [hbm4b:s17+s2], $0x8000, $0x38;
	[tilespmem:$0x18000] =	vst v63  }
.LBB2_9:
0x205: {  	_ =	sfence.sel $0x180000  }
0x206: {  	[bflag:$0x0] =	sbarrier.arrive $0xFFFF  }
0x207: {  	p0 =	sne.s32 s1, $0x0;
	_ =	strace $0x90000047  }
0x208: {  	s0 =	sadd.s32 @!p0 $0x100000, s0;
	[bflag:$0x2] =	sbarrier.arrive $0xFFFF  }
0x209: {  	[sflag:s0] =	ssyncadd.tile.s32 @!p0 $0x1;
	_ =	shalt  }
.Lfunc_end2:
_tile_overlayer_lowered:
.L_overlay_start_2:
0x20a: {  	(tag) =	ssettag $0x2  }
0x20b: {  	s0 =	rddreg [dreg:$0x0];
	s2 =	stileid.u32  }
0x20c: {  	s1 =	rddreg [dreg:$0x1];
	p0 =	sne.s32 s2, $0x0  }
0x20d: {  	s3 =	rddreg [dreg:$0x2];
	[bflag:$0x3] =	sbarrier.arrive $0xFFFF;
	s2 =	simm.s32 @!p0 $0x1C03  }
0x20e: {  	[timem:s3], [sflag:s2] =	dma.local @!p0 [hbm:s0], s1  }
0x20f: {  	s0 =	simm.s32 @!p0 $0x3  }
0x210: {  	_ =	swait.ge @!p0 [sflag:s0], s1  }
0x211: {  	s1 =	ssub.s32 @!p0 $0x0, s1;
	[sflag:s0] =	ssyncset.done @!p0 $0x0  }
0x212: {  	[sflag:s0] =	ssyncadd.s32 @!p0 s1  }
0x213: {  	[bflag:$0x3] =	sbarrier.arrive $0xFFFF  }
0x214: {  	_ =	shalt  }

</sc_bundles>
